<compile_context>
chip_gen: v7x
topology: tpu7x:2x2x1
jax: 0.10.2.dev20260603
libtpu: 0.0.44.dev20260713+nightly
codegen_flags: <defaults>
</compile_context>

<pallas_src>
import functools

import jax
import jax.numpy as jnp
from jax import lax
from jax.experimental import pallas as pl
from jax.experimental.pallas import tpu as pltpu
from jax.experimental.pallas import tpu_sc as plsc

B, C, OV, W, H = 128, 3, 4, 64, 64
HHALF = H // 2
NC, NS = 2, 16
NW = NC * NS
UNITS_PER_W = C * W // NW
LANES = 16
GRPS = HHALF * B // LANES
TAB_PAD = 352


def _unit_coords(u):
  c = lax.shift_right_logical(u, 6)
  w = lax.bitwise_and(u, 63)
  ch = jnp.where(c == 2, 0, c + 1)
  t = jnp.where(c == 1, 1, 0)
  return c, w, ch, t


def _sc_body(ids_hbm, vals_hbm, tab_hbm, dw_hbm, out_hbm,
             tab_v, dw_v, ids_v, vals_v, out_v,
             sem_i0, sem_i1, sem_v0, sem_v1, sem_o0, sem_o1):
  cid = lax.axis_index("c")
  sid = lax.axis_index("s")
  wid = sid * NC + cid

  sem_i = (sem_i0, sem_i1)
  sem_v = (sem_v0, sem_v1)
  sem_o = (sem_o0, sem_o1)

  def start_in(ch, w, half, buf):
    h0 = half * HHALF
    pltpu.async_copy(ids_hbm.at[ch, :, w, pl.ds(h0, HHALF), :], ids_v.at[buf],
                     sem_i[buf])
    pltpu.async_copy(vals_hbm.at[ch, :, w, pl.ds(h0, HHALF), :],
                     vals_v.at[buf], sem_v[buf])

  def wait_in(buf):
    pltpu.make_async_copy(ids_hbm.at[0, :, 0, pl.ds(0, HHALF), :],
                          ids_v.at[buf], sem_i[buf]).wait()
    pltpu.make_async_copy(vals_hbm.at[0, :, 0, pl.ds(0, HHALF), :],
                          vals_v.at[buf], sem_v[buf]).wait()

  def wait_out(buf):
    pltpu.make_async_copy(out_v.at[buf], out_hbm.at[0, 0, pl.ds(0, HHALF), :],
                          sem_o[buf]).wait()

  def run_stage(c, w, half, t, buf, first):
    wait_in(buf)
    if not first:
      wait_out(buf)
    t16 = jnp.full((LANES,), t, jnp.int32)
    dw = dw_v[pl.ds(t * LANES, LANES)]

    @plsc.parallel_loop(0, GRPS, unroll=4)
    def _compute(i):
      h = i >> 3
      b0 = (i & 7) * LANES
      idx = ids_v[buf, 0, h, pl.ds(b0, LANES)]
      acc = (plsc.load_gather(tab_v, [t16, idx])
             * vals_v[buf, 0, h, pl.ds(b0, LANES)])
      for ov in range(1, OV):
        idx = ids_v[buf, ov, h, pl.ds(b0, LANES)]
        acc = jnp.maximum(
            acc, plsc.load_gather(tab_v, [t16, idx])
            * vals_v[buf, ov, h, pl.ds(b0, LANES)])
      out_v[buf, h, pl.ds(b0, LANES)] = acc * dw

    h0 = half * HHALF
    pltpu.async_copy(out_v.at[buf], out_hbm.at[c, w, pl.ds(h0, HHALF), :],
                     sem_o[buf])

  def unit(q, carry):
    c, w, ch, t = _unit_coords(wid * UNITS_PER_W + q)
    start_in(ch, w, 1, 1)
    run_stage(c, w, 0, t, 0, False)

    @pl.when(q < UNITS_PER_W - 1)
    def _prefetch():
      _, w1, ch1, _ = _unit_coords(wid * UNITS_PER_W + q + 1)
      start_in(ch1, w1, 0, 0)

    run_stage(c, w, 1, t, 1, False)
    return carry

  c0, w0, ch0, t0 = _unit_coords(wid * UNITS_PER_W)
  start_in(ch0, w0, 0, 0)
  start_in(ch0, w0, 1, 1)
  pltpu.sync_copy(tab_hbm, tab_v)
  pltpu.sync_copy(dw_hbm, dw_v)
  run_stage(c0, w0, 0, t0, 0, True)
  _, w1, ch1, _ = _unit_coords(wid * UNITS_PER_W + 1)
  start_in(ch1, w1, 0, 0)
  run_stage(c0, w0, 1, t0, 1, True)
  lax.fori_loop(1, UNITS_PER_W, unit, 0)

  wait_out(0)
  wait_out(1)


@functools.cache
def _build_sc_call():
  return pl.kernel(
    _sc_body,
    out_type=jax.ShapeDtypeStruct((C, W, H, B), jnp.float32),
    mesh=plsc.VectorSubcoreMesh(
        core_axis_name="c", subcore_axis_name="s",
        num_cores=NC, num_subcores=NS),
    scratch_types=[
        pltpu.VMEM((2, TAB_PAD), jnp.float32),
        pltpu.VMEM((2 * LANES,), jnp.float32),
        pltpu.VMEM((2, OV, HHALF, B), jnp.int32),
        pltpu.VMEM((2, OV, HHALF, B), jnp.float32),
        pltpu.VMEM((2, HHALF, B), jnp.float32),
        pltpu.SemaphoreType.DMA,
        pltpu.SemaphoreType.DMA,
        pltpu.SemaphoreType.DMA,
        pltpu.SemaphoreType.DMA,
        pltpu.SemaphoreType.DMA,
        pltpu.SemaphoreType.DMA,
    ],
    compiler_params=pltpu.CompilerParams(
        needs_layout_passes=False, use_tc_tiling_on_sc=True),
  )


@jax.jit
def kernel(bag_of_units_ids, bag_of_units_values, player_embed, neutral_embed,
           player_dense_weight, neutral_dense_weight):
  ids = jnp.transpose(bag_of_units_ids, (1, 2, 3, 4, 0))
  vals = jnp.transpose(bag_of_units_values, (1, 2, 3, 4, 0))
  tab = jnp.stack([
      jnp.pad(player_embed.reshape(-1), (0, TAB_PAD - player_embed.size)),
      jnp.pad(neutral_embed.reshape(-1), (0, TAB_PAD - neutral_embed.size)),
  ])
  dw = jnp.concatenate([
      jnp.broadcast_to(player_dense_weight, (LANES,)),
      jnp.broadcast_to(neutral_dense_weight, (LANES,)),
  ])
  out = _build_sc_call()(ids, vals, tab, dw)
  return jnp.transpose(out, (3, 0, 1, 2))

# --- scband reference (transcript-rebuilt; emitter-appended) ---
"""Pipeline reference for scband-star-craft-to-image-reducer-13331578487558 (READ-ONLY COPY).

The authoritative reference and input builder live on the scoring server;
editing this copy changes nothing except your own understanding.
"""

import jax, jax.numpy as jnp
import numpy as np

N_NONNEUTRAL = 340
N_NEUTRAL = 102
EMBED_SIZE = 1


def setup_inputs(seed: int = 0) -> dict:
    key = jax.random.key(seed)
    k1, k2, k3, k4 = jax.random.split(key, 4)
    B, OV, W, H = 128, 4, 64, 64
    bag_of_units_ids = jax.random.randint(k1, (B, 3, OV, W, H), 0, N_NEUTRAL, dtype=jnp.int32)
    bag_of_units_values = jax.random.uniform(k2, (B, 3, OV, W, H), dtype=jnp.float32)
    # learned params (embedding tables init'd as ones in the module; randomized here for a non-degenerate reference)
    player_embed = jax.random.normal(k3, (N_NONNEUTRAL, EMBED_SIZE), dtype=jnp.float32)
    neutral_embed = jax.random.normal(k4, (N_NEUTRAL, EMBED_SIZE), dtype=jnp.float32)
    player_dense_weight = jnp.array([1.0], dtype=jnp.float32)
    neutral_dense_weight = jnp.array([0.2], dtype=jnp.float32)
    return {
        'bag_of_units_ids': bag_of_units_ids,
        'bag_of_units_values': bag_of_units_values,
        'player_embed': player_embed,
        'neutral_embed': neutral_embed,
        'player_dense_weight': player_dense_weight,
        'neutral_dense_weight': neutral_dense_weight,
    }


def _channel_reduce(ids, vals, table):
    # F.embedding -> gather rows of table: (B, OV, W, H, E)
    x = jnp.take(table, ids, axis=0)
    x = x * vals[..., None]
    x = jnp.max(x, axis=-4)           # reduce over overlap dim -> (B, W, H, E)
    x = jnp.transpose(x, (0, 3, 1, 2))  # -> (B, E, W, H)
    return x


def _dense_channel_reduce(channel, w):
    channel = channel * w.reshape(-1, 1, 1)
    return jnp.max(channel, axis=-3, keepdims=True)  # (B, 1, W, H)


def reference(bag_of_units_ids, bag_of_units_values, player_embed, neutral_embed, player_dense_weight, neutral_dense_weight):
    # channel_setup order: player_2 (idx 1), neutral (idx 2), player_1 (idx 0)
    setup = [
        (1, player_embed, player_dense_weight),
        (2, neutral_embed, neutral_dense_weight),
        (0, player_embed, player_dense_weight),
    ]
    channels = []
    for ch_idx, table, dw in setup:
        c = _channel_reduce(bag_of_units_ids[:, ch_idx], bag_of_units_values[:, ch_idx], table)
        c = _dense_channel_reduce(c, dw)
        channels.append(c)
    return jnp.concatenate(channels, axis=1)  # (B, 3, W, H)

if __name__ == "__main__":
    import jax
    _d = setup_inputs()
    print(jax.jit(kernel)(*tuple(_d.values())))

</pallas_src>

<mosaic_0001>
#map = affine_map<(d0, d1) -> (0, 0, 0, 0, 0)>
#map1 = affine_map<(d0, d1) -> (0, 0)>
#map2 = affine_map<(d0, d1) -> (0)>
#map3 = affine_map<(d0, d1) -> (0, 0, 0, 0)>
module attributes {stable_mosaic.version = 14 : i64} {
  func.func @_sc_body(%arg0: i32, %arg1: i32, %arg2: memref<3x4x64x64x128xi32, #tpu.memory_space<hbm>>, %arg3: memref<3x4x64x64x128xf32, #tpu.memory_space<hbm>>, %arg4: memref<2x352xf32, #tpu.memory_space<hbm>>, %arg5: memref<32xf32, #tpu.memory_space<hbm>>, %arg6: memref<3x64x64x128xf32, #tpu.memory_space<hbm>>, %arg7: memref<2x352xf32, #tpu.memory_space<vmem>>, %arg8: memref<32xf32, #tpu.memory_space<vmem>>, %arg9: memref<2x4x32x128xi32, #tpu.memory_space<vmem>>, %arg10: memref<2x4x32x128xf32, #tpu.memory_space<vmem>>, %arg11: memref<2x32x128xf32, #tpu.memory_space<vmem>>, %arg12: memref<!tpu.dma_semaphore, #tpu.memory_space<semaphore_mem>>, %arg13: memref<!tpu.dma_semaphore, #tpu.memory_space<semaphore_mem>>, %arg14: memref<!tpu.dma_semaphore, #tpu.memory_space<semaphore_mem>>, %arg15: memref<!tpu.dma_semaphore, #tpu.memory_space<semaphore_mem>>, %arg16: memref<!tpu.dma_semaphore, #tpu.memory_space<semaphore_mem>>, %arg17: memref<!tpu.dma_semaphore, #tpu.memory_space<semaphore_mem>>) attributes {dimension_semantics = [#tpu.dimension_semantics<core_parallel>, #tpu.dimension_semantics<subcore_parallel>], iteration_bounds = array<i64: 2, 16>, scalar_prefetch = 0 : i64, scratch_operands = 11 : i64, tpu.core_type = #tpu.core_type<sc_vector_subcore>, window_params = [{transform_indices = #map}, {transform_indices = #map}, {transform_indices = #map1}, {transform_indices = #map2}, {transform_indices = #map3}]} {
    %mul3A = arith.constant 2 : i32
    %mul3A_0 = arith.muli %arg1, %mul3A : i32
    %add3A = arith.addi %mul3A_0, %arg0 : i32
    %mul3A_1 = arith.constant 6 : i32
    %mul3A_2 = arith.muli %add3A, %mul3A_1 : i32
    %shift_right_logical3A = arith.constant 6 : i32
    %shift_right_logical3A_3 = arith.shrui %mul3A_2, %shift_right_logical3A : i32
    %and3A = arith.constant 63 : i32
    %and3A_4 = arith.andi %mul3A_2, %and3A : i32
    %eq3A = arith.constant 2 : i32
    %eq3A_5 = arith.cmpi eq, %shift_right_logical3A_3, %eq3A : i32
    %add3A_6 = arith.constant 1 : i32
    %add3A_7 = arith.addi %shift_right_logical3A_3, %add3A_6 : i32
    %jit3A = arith.constant 0 : i32
    %select_n3A = arith.select %eq3A_5, %jit3A, %add3A_7 : i32
    %eq3A_8 = arith.constant 1 : i32
    %eq3A_9 = arith.cmpi eq, %shift_right_logical3A_3, %eq3A_8 : i32
    %jit3A_10 = arith.constant 1 : i32
    %jit3A_11 = arith.constant 0 : i32
    %select_n3A_12 = arith.select %eq3A_9, %jit3A_10, %jit3A_11 : i32
    %dma_start3A = arith.constant 0 : i32
    %dma_start3A_13 = arith.constant 0 : i32
    %dma_start3A_14 = arith.constant 0 : i32
    %dma_start3A_15 = arith.constant 0 : i32
    %dma_start3A_16 = tpu.memref_slice %arg9[%dma_start3A, %dma_start3A_13, %dma_start3A_14, %dma_start3A_15] : memref<2x4x32x128xi32, #tpu.memory_space<vmem>> -> memref<1x4x32x128xi32, #tpu.memory_space<vmem>>
    %dma_start3A_17 = tpu.memref_squeeze %dma_start3A_16 : memref<1x4x32x128xi32, #tpu.memory_space<vmem>> -> memref<4x32x128xi32, #tpu.memory_space<vmem>>
    %dma_start3A_18 = arith.constant 0 : i32
    %dma_start3A_19 = arith.constant 0 : i32
    %dma_start3A_20 = arith.constant 0 : i32
    %dma_start3A_21 = tpu.memref_slice %arg2[%select_n3A, %dma_start3A_18, %and3A_4, %dma_start3A_19, %dma_start3A_20] : memref<3x4x64x64x128xi32, #tpu.memory_space<hbm>> -> memref<1x4x1x32x128xi32, #tpu.memory_space<hbm>>
    %dma_start3A_22 = tpu.memref_squeeze %dma_start3A_21 : memref<1x4x1x32x128xi32, #tpu.memory_space<hbm>> -> memref<4x32x128xi32, #tpu.memory_space<hbm>>
    %dma_start3A_23 = arith.constant 0 : i32
    %dma_start3A_24 = arith.constant 0 : i32
    %dma_start3A_25 = arith.constant 0 : i32
    %dma_start3A_26 = tpu.memref_slice %arg9[%dma_start3A, %dma_start3A_23, %dma_start3A_24, %dma_start3A_25] : memref<2x4x32x128xi32, #tpu.memory_space<vmem>> -> memref<1x4x32x128xi32, #tpu.memory_space<vmem>>
    %dma_start3A_27 = tpu.memref_squeeze %dma_start3A_26 : memref<1x4x32x128xi32, #tpu.memory_space<vmem>> -> memref<4x32x128xi32, #tpu.memory_space<vmem>>
    %dma_start3A_28 = arith.constant 0 : i32
    %dma_start3A_29 = arith.constant 0 : i32
    %dma_start3A_30 = arith.constant 0 : i32
    %dma_start3A_31 = tpu.memref_slice %arg2[%select_n3A, %dma_start3A_28, %and3A_4, %dma_start3A_29, %dma_start3A_30] : memref<3x4x64x64x128xi32, #tpu.memory_space<hbm>> -> memref<1x4x1x32x128xi32, #tpu.memory_space<hbm>>
    %dma_start3A_32 = tpu.memref_squeeze %dma_start3A_31 : memref<1x4x1x32x128xi32, #tpu.memory_space<hbm>> -> memref<4x32x128xi32, #tpu.memory_space<hbm>>
    tpu.enqueue_dma source(%dma_start3A_32 : memref<4x32x128xi32, #tpu.memory_space<hbm>>) target(%dma_start3A_27 : memref<4x32x128xi32, #tpu.memory_space<vmem>>) target_semaphore(%arg12 : memref<!tpu.dma_semaphore, #tpu.memory_space<semaphore_mem>>)
    %dma_start3A_33 = arith.constant 0 : i32
    %dma_start3A_34 = arith.constant 0 : i32
    %dma_start3A_35 = arith.constant 0 : i32
    %dma_start3A_36 = arith.constant 0 : i32
    %dma_start3A_37 = tpu.memref_slice %arg10[%dma_start3A_33, %dma_start3A_34, %dma_start3A_35, %dma_start3A_36] : memref<2x4x32x128xf32, #tpu.memory_space<vmem>> -> memref<1x4x32x128xf32, #tpu.memory_space<vmem>>
    %dma_start3A_38 = tpu.memref_squeeze %dma_start3A_37 : memref<1x4x32x128xf32, #tpu.memory_space<vmem>> -> memref<4x32x128xf32, #tpu.memory_space<vmem>>
    %dma_start3A_39 = arith.constant 0 : i32
    %dma_start3A_40 = arith.constant 0 : i32
    %dma_start3A_41 = arith.constant 0 : i32
    %dma_start3A_42 = tpu.memref_slice %arg3[%select_n3A, %dma_start3A_39, %and3A_4, %dma_start3A_40, %dma_start3A_41] : memref<3x4x64x64x128xf32, #tpu.memory_space<hbm>> -> memref<1x4x1x32x128xf32, #tpu.memory_space<hbm>>
    %dma_start3A_43 = tpu.memref_squeeze %dma_start3A_42 : memref<1x4x1x32x128xf32, #tpu.memory_space<hbm>> -> memref<4x32x128xf32, #tpu.memory_space<hbm>>
    %dma_start3A_44 = arith.constant 0 : i32
    %dma_start3A_45 = arith.constant 0 : i32
    %dma_start3A_46 = arith.constant 0 : i32
    %dma_start3A_47 = tpu.memref_slice %arg10[%dma_start3A_33, %dma_start3A_44, %dma_start3A_45, %dma_start3A_46] : memref<2x4x32x128xf32, #tpu.memory_space<vmem>> -> memref<1x4x32x128xf32, #tpu.memory_space<vmem>>
    %dma_start3A_48 = tpu.memref_squeeze %dma_start3A_47 : memref<1x4x32x128xf32, #tpu.memory_space<vmem>> -> memref<4x32x128xf32, #tpu.memory_space<vmem>>
    %dma_start3A_49 = arith.constant 0 : i32
    %dma_start3A_50 = arith.constant 0 : i32
    %dma_start3A_51 = arith.constant 0 : i32
    %dma_start3A_52 = tpu.memref_slice %arg3[%select_n3A, %dma_start3A_49, %and3A_4, %dma_start3A_50, %dma_start3A_51] : memref<3x4x64x64x128xf32, #tpu.memory_space<hbm>> -> memref<1x4x1x32x128xf32, #tpu.memory_space<hbm>>
    %dma_start3A_53 = tpu.memref_squeeze %dma_start3A_52 : memref<1x4x1x32x128xf32, #tpu.memory_space<hbm>> -> memref<4x32x128xf32, #tpu.memory_space<hbm>>
    tpu.enqueue_dma source(%dma_start3A_53 : memref<4x32x128xf32, #tpu.memory_space<hbm>>) target(%dma_start3A_48 : memref<4x32x128xf32, #tpu.memory_space<vmem>>) target_semaphore(%arg14 : memref<!tpu.dma_semaphore, #tpu.memory_space<semaphore_mem>>)
    %dma_start3A_54 = arith.constant 1 : i32
    %dma_start3A_55 = arith.constant 0 : i32
    %dma_start3A_56 = arith.constant 0 : i32
    %dma_start3A_57 = arith.constant 0 : i32
    %dma_start3A_58 = tpu.memref_slice %arg9[%dma_start3A_54, %dma_start3A_55, %dma_start3A_56, %dma_start3A_57] : memref<2x4x32x128xi32, #tpu.memory_space<vmem>> -> memref<1x4x32x128xi32, #tpu.memory_space<vmem>>
    %dma_start3A_59 = tpu.memref_squeeze %dma_start3A_58 : memref<1x4x32x128xi32, #tpu.memory_space<vmem>> -> memref<4x32x128xi32, #tpu.memory_space<vmem>>
    %dma_start3A_60 = arith.constant 0 : i32
    %dma_start3A_61 = arith.constant 32 : i32
    %dma_start3A_62 = arith.constant 0 : i32
    %dma_start3A_63 = tpu.memref_slice %arg2[%select_n3A, %dma_start3A_60, %and3A_4, %dma_start3A_61, %dma_start3A_62] : memref<3x4x64x64x128xi32, #tpu.memory_space<hbm>> -> memref<1x4x1x32x128xi32, #tpu.memory_space<hbm>>
    %dma_start3A_64 = tpu.memref_squeeze %dma_start3A_63 : memref<1x4x1x32x128xi32, #tpu.memory_space<hbm>> -> memref<4x32x128xi32, #tpu.memory_space<hbm>>
    %dma_start3A_65 = arith.constant 0 : i32
    %dma_start3A_66 = arith.constant 0 : i32
    %dma_start3A_67 = arith.constant 0 : i32
    %dma_start3A_68 = tpu.memref_slice %arg9[%dma_start3A_54, %dma_start3A_65, %dma_start3A_66, %dma_start3A_67] : memref<2x4x32x128xi32, #tpu.memory_space<vmem>> -> memref<1x4x32x128xi32, #tpu.memory_space<vmem>>
    %dma_start3A_69 = tpu.memref_squeeze %dma_start3A_68 : memref<1x4x32x128xi32, #tpu.memory_space<vmem>> -> memref<4x32x128xi32, #tpu.memory_space<vmem>>
    %dma_start3A_70 = arith.constant 0 : i32
    %dma_start3A_71 = arith.constant 32 : i32
    %dma_start3A_72 = arith.constant 0 : i32
    %dma_start3A_73 = tpu.memref_slice %arg2[%select_n3A, %dma_start3A_70, %and3A_4, %dma_start3A_71, %dma_start3A_72] : memref<3x4x64x64x128xi32, #tpu.memory_space<hbm>> -> memref<1x4x1x32x128xi32, #tpu.memory_space<hbm>>
    %dma_start3A_74 = tpu.memref_squeeze %dma_start3A_73 : memref<1x4x1x32x128xi32, #tpu.memory_space<hbm>> -> memref<4x32x128xi32, #tpu.memory_space<hbm>>
    tpu.enqueue_dma source(%dma_start3A_74 : memref<4x32x128xi32, #tpu.memory_space<hbm>>) target(%dma_start3A_69 : memref<4x32x128xi32, #tpu.memory_space<vmem>>) target_semaphore(%arg13 : memref<!tpu.dma_semaphore, #tpu.memory_space<semaphore_mem>>)
    %dma_start3A_75 = arith.constant 1 : i32
    %dma_start3A_76 = arith.constant 0 : i32
    %dma_start3A_77 = arith.constant 0 : i32
    %dma_start3A_78 = arith.constant 0 : i32
    %dma_start3A_79 = tpu.memref_slice %arg10[%dma_start3A_75, %dma_start3A_76, %dma_start3A_77, %dma_start3A_78] : memref<2x4x32x128xf32, #tpu.memory_space<vmem>> -> memref<1x4x32x128xf32, #tpu.memory_space<vmem>>
    %dma_start3A_80 = tpu.memref_squeeze %dma_start3A_79 : memref<1x4x32x128xf32, #tpu.memory_space<vmem>> -> memref<4x32x128xf32, #tpu.memory_space<vmem>>
    %dma_start3A_81 = arith.constant 0 : i32
    %dma_start3A_82 = arith.constant 32 : i32
    %dma_start3A_83 = arith.constant 0 : i32
    %dma_start3A_84 = tpu.memref_slice %arg3[%select_n3A, %dma_start3A_81, %and3A_4, %dma_start3A_82, %dma_start3A_83] : memref<3x4x64x64x128xf32, #tpu.memory_space<hbm>> -> memref<1x4x1x32x128xf32, #tpu.memory_space<hbm>>
    %dma_start3A_85 = tpu.memref_squeeze %dma_start3A_84 : memref<1x4x1x32x128xf32, #tpu.memory_space<hbm>> -> memref<4x32x128xf32, #tpu.memory_space<hbm>>
    %dma_start3A_86 = arith.constant 0 : i32
    %dma_start3A_87 = arith.constant 0 : i32
    %dma_start3A_88 = arith.constant 0 : i32
    %dma_start3A_89 = tpu.memref_slice %arg10[%dma_start3A_75, %dma_start3A_86, %dma_start3A_87, %dma_start3A_88] : memref<2x4x32x128xf32, #tpu.memory_space<vmem>> -> memref<1x4x32x128xf32, #tpu.memory_space<vmem>>
    %dma_start3A_90 = tpu.memref_squeeze %dma_start3A_89 : memref<1x4x32x128xf32, #tpu.memory_space<vmem>> -> memref<4x32x128xf32, #tpu.memory_space<vmem>>
    %dma_start3A_91 = arith.constant 0 : i32
    %dma_start3A_92 = arith.constant 32 : i32
    %dma_start3A_93 = arith.constant 0 : i32
    %dma_start3A_94 = tpu.memref_slice %arg3[%select_n3A, %dma_start3A_91, %and3A_4, %dma_start3A_92, %dma_start3A_93] : memref<3x4x64x64x128xf32, #tpu.memory_space<hbm>> -> memref<1x4x1x32x128xf32, #tpu.memory_space<hbm>>
    %dma_start3A_95 = tpu.memref_squeeze %dma_start3A_94 : memref<1x4x1x32x128xf32, #tpu.memory_space<hbm>> -> memref<4x32x128xf32, #tpu.memory_space<hbm>>
    tpu.enqueue_dma source(%dma_start3A_95 : memref<4x32x128xf32, #tpu.memory_space<hbm>>) target(%dma_start3A_90 : memref<4x32x128xf32, #tpu.memory_space<vmem>>) target_semaphore(%arg15 : memref<!tpu.dma_semaphore, #tpu.memory_space<semaphore_mem>>)
    "tpu.region"() ({
      %run_scoped3A = tpu.sem_alloc : memref<!tpu.dma_semaphore, #tpu.memory_space<semaphore_mem>>
      tpu.enqueue_dma source(%arg4 : memref<2x352xf32, #tpu.memory_space<hbm>>) target(%arg7 : memref<2x352xf32, #tpu.memory_space<vmem>>) target_semaphore(%run_scoped3A : memref<!tpu.dma_semaphore, #tpu.memory_space<semaphore_mem>>)
      tpu.wait_dma2 semaphore(%run_scoped3A : memref<!tpu.dma_semaphore, #tpu.memory_space<semaphore_mem>>) src(%arg4 : memref<2x352xf32, #tpu.memory_space<hbm>>) dst(%arg7 : memref<2x352xf32, #tpu.memory_space<vmem>>)
      tpu.yield
    }) : () -> ()
    "tpu.region"() ({
      %run_scoped3A = tpu.sem_alloc : memref<!tpu.dma_semaphore, #tpu.memory_space<semaphore_mem>>
      tpu.enqueue_dma source(%arg5 : memref<32xf32, #tpu.memory_space<hbm>>) target(%arg8 : memref<32xf32, #tpu.memory_space<vmem>>) target_semaphore(%run_scoped3A : memref<!tpu.dma_semaphore, #tpu.memory_space<semaphore_mem>>)
      tpu.wait_dma2 semaphore(%run_scoped3A : memref<!tpu.dma_semaphore, #tpu.memory_space<semaphore_mem>>) src(%arg5 : memref<32xf32, #tpu.memory_space<hbm>>) dst(%arg8 : memref<32xf32, #tpu.memory_space<vmem>>)
      tpu.yield
    }) : () -> ()
    %dma_wait3A = arith.constant 0 : i32
    %dma_wait3A_96 = arith.constant 0 : i32
    %dma_wait3A_97 = arith.constant 0 : i32
    %dma_wait3A_98 = arith.constant 0 : i32
    %dma_wait3A_99 = arith.constant 0 : i32
    %dma_wait3A_100 = arith.constant 0 : i32
    %dma_wait3A_101 = tpu.memref_slice %arg9[%dma_wait3A_97, %dma_wait3A_98, %dma_wait3A_99, %dma_wait3A_100] : memref<2x4x32x128xi32, #tpu.memory_space<vmem>> -> memref<1x4x32x128xi32, #tpu.memory_space<vmem>>
    %dma_wait3A_102 = tpu.memref_squeeze %dma_wait3A_101 : memref<1x4x32x128xi32, #tpu.memory_space<vmem>> -> memref<4x32x128xi32, #tpu.memory_space<vmem>>
    %dma_wait3A_103 = arith.constant 0 : i32
    %dma_wait3A_104 = arith.constant 0 : i32
    %dma_wait3A_105 = arith.constant 0 : i32
    %dma_wait3A_106 = tpu.memref_slice %arg2[%dma_wait3A, %dma_wait3A_103, %dma_wait3A_96, %dma_wait3A_104, %dma_wait3A_105] : memref<3x4x64x64x128xi32, #tpu.memory_space<hbm>> -> memref<1x4x1x32x128xi32, #tpu.memory_space<hbm>>
    %dma_wait3A_107 = tpu.memref_squeeze %dma_wait3A_106 : memref<1x4x1x32x128xi32, #tpu.memory_space<hbm>> -> memref<4x32x128xi32, #tpu.memory_space<hbm>>
    %dma_wait3A_108 = arith.constant 0 : i32
    %dma_wait3A_109 = arith.constant 0 : i32
    %dma_wait3A_110 = arith.constant 0 : i32
    %dma_wait3A_111 = tpu.memref_slice %arg9[%dma_wait3A_97, %dma_wait3A_108, %dma_wait3A_109, %dma_wait3A_110] : memref<2x4x32x128xi32, #tpu.memory_space<vmem>> -> memref<1x4x32x128xi32, #tpu.memory_space<vmem>>
    %dma_wait3A_112 = tpu.memref_squeeze %dma_wait3A_111 : memref<1x4x32x128xi32, #tpu.memory_space<vmem>> -> memref<4x32x128xi32, #tpu.memory_space<vmem>>
    %dma_wait3A_113 = arith.constant 0 : i32
    %dma_wait3A_114 = arith.constant 0 : i32
    %dma_wait3A_115 = arith.constant 0 : i32
    %dma_wait3A_116 = tpu.memref_slice %arg2[%dma_wait3A, %dma_wait3A_113, %dma_wait3A_96, %dma_wait3A_114, %dma_wait3A_115] : memref<3x4x64x64x128xi32, #tpu.memory_space<hbm>> -> memref<1x4x1x32x128xi32, #tpu.memory_space<hbm>>
    %dma_wait3A_117 = tpu.memref_squeeze %dma_wait3A_116 : memref<1x4x1x32x128xi32, #tpu.memory_space<hbm>> -> memref<4x32x128xi32, #tpu.memory_space<hbm>>
    tpu.wait_dma2 semaphore(%arg12 : memref<!tpu.dma_semaphore, #tpu.memory_space<semaphore_mem>>) src(%dma_wait3A_117 : memref<4x32x128xi32, #tpu.memory_space<hbm>>) dst(%dma_wait3A_112 : memref<4x32x128xi32, #tpu.memory_space<vmem>>)
    %dma_wait3A_118 = arith.constant 0 : i32
    %dma_wait3A_119 = arith.constant 0 : i32
    %dma_wait3A_120 = arith.constant 0 : i32
    %dma_wait3A_121 = arith.constant 0 : i32
    %dma_wait3A_122 = arith.constant 0 : i32
    %dma_wait3A_123 = arith.constant 0 : i32
    %dma_wait3A_124 = tpu.memref_slice %arg10[%dma_wait3A_120, %dma_wait3A_121, %dma_wait3A_122, %dma_wait3A_123] : memref<2x4x32x128xf32, #tpu.memory_space<vmem>> -> memref<1x4x32x128xf32, #tpu.memory_space<vmem>>
    %dma_wait3A_125 = tpu.memref_squeeze %dma_wait3A_124 : memref<1x4x32x128xf32, #tpu.memory_space<vmem>> -> memref<4x32x128xf32, #tpu.memory_space<vmem>>
    %dma_wait3A_126 = arith.constant 0 : i32
    %dma_wait3A_127 = arith.constant 0 : i32
    %dma_wait3A_128 = arith.constant 0 : i32
    %dma_wait3A_129 = tpu.memref_slice %arg3[%dma_wait3A_118, %dma_wait3A_126, %dma_wait3A_119, %dma_wait3A_127, %dma_wait3A_128] : memref<3x4x64x64x128xf32, #tpu.memory_space<hbm>> -> memref<1x4x1x32x128xf32, #tpu.memory_space<hbm>>
    %dma_wait3A_130 = tpu.memref_squeeze %dma_wait3A_129 : memref<1x4x1x32x128xf32, #tpu.memory_space<hbm>> -> memref<4x32x128xf32, #tpu.memory_space<hbm>>
    %dma_wait3A_131 = arith.constant 0 : i32
    %dma_wait3A_132 = arith.constant 0 : i32
    %dma_wait3A_133 = arith.constant 0 : i32
    %dma_wait3A_134 = tpu.memref_slice %arg10[%dma_wait3A_120, %dma_wait3A_131, %dma_wait3A_132, %dma_wait3A_133] : memref<2x4x32x128xf32, #tpu.memory_space<vmem>> -> memref<1x4x32x128xf32, #tpu.memory_space<vmem>>
    %dma_wait3A_135 = tpu.memref_squeeze %dma_wait3A_134 : memref<1x4x32x128xf32, #tpu.memory_space<vmem>> -> memref<4x32x128xf32, #tpu.memory_space<vmem>>
    %dma_wait3A_136 = arith.constant 0 : i32
    %dma_wait3A_137 = arith.constant 0 : i32
    %dma_wait3A_138 = arith.constant 0 : i32
    %dma_wait3A_139 = tpu.memref_slice %arg3[%dma_wait3A_118, %dma_wait3A_136, %dma_wait3A_119, %dma_wait3A_137, %dma_wait3A_138] : memref<3x4x64x64x128xf32, #tpu.memory_space<hbm>> -> memref<1x4x1x32x128xf32, #tpu.memory_space<hbm>>
    %dma_wait3A_140 = tpu.memref_squeeze %dma_wait3A_139 : memref<1x4x1x32x128xf32, #tpu.memory_space<hbm>> -> memref<4x32x128xf32, #tpu.memory_space<hbm>>
    tpu.wait_dma2 semaphore(%arg14 : memref<!tpu.dma_semaphore, #tpu.memory_space<semaphore_mem>>) src(%dma_wait3A_140 : memref<4x32x128xf32, #tpu.memory_space<hbm>>) dst(%dma_wait3A_135 : memref<4x32x128xf32, #tpu.memory_space<vmem>>)
    %broadcast_in_dim3A = vector.broadcast %select_n3A_12 : i32 to vector<16xi32>
    %mul3A_141 = arith.constant 16 : i32
    %mul3A_142 = arith.muli %select_n3A_12, %mul3A_141 : i32
    %get3A = arith.index_cast %mul3A_142 : i32 to index
    %get3A_143 = tpu.vector_load %arg8[%get3A] {strides = array<i32>} : memref<32xf32, #tpu.memory_space<vmem>>, vector<16xf32>,
    %parallel_loop3A = arith.constant 0 : i32
    %parallel_loop3A_144 = arith.constant 256 : i32
    %parallel_loop3A_145 = arith.constant 1 : i32
    scf.for %parallel_loop3A_338 = %parallel_loop3A to %parallel_loop3A_144 step %parallel_loop3A_145  : i32 {
      %parallel_loop3A_339 = arith.constant 3 : i32
      %parallel_loop3A_340 = arith.shrsi %parallel_loop3A_338, %parallel_loop3A_339 : i32
      %parallel_loop3A_341 = arith.constant 7 : i32
      %parallel_loop3A_342 = arith.andi %parallel_loop3A_338, %parallel_loop3A_341 : i32
      %parallel_loop3A_343 = arith.constant 16 : i32
      %parallel_loop3A_344 = arith.muli %parallel_loop3A_342, %parallel_loop3A_343 : i32
      %parallel_loop3A_345 = arith.constant 0 : i32
      %parallel_loop3A_346 = arith.constant 0 : i32
      %parallel_loop3A_347 = arith.index_cast %parallel_loop3A_345 : i32 to index
      %parallel_loop3A_348 = arith.index_cast %parallel_loop3A_346 : i32 to index
      %parallel_loop3A_349 = arith.index_cast %parallel_loop3A_340 : i32 to index
      %parallel_loop3A_350 = arith.index_cast %parallel_loop3A_344 : i32 to index
      %parallel_loop3A_351 = tpu.vector_load %arg9[%parallel_loop3A_347, %parallel_loop3A_348, %parallel_loop3A_349, %parallel_loop3A_350] {strides = array<i32>} : memref<2x4x32x128xi32, #tpu.memory_space<vmem>>, vector<16xi32>,
      %parallel_loop3A_352 = tpu.vector_load_idx %arg7[%broadcast_in_dim3A, %parallel_loop3A_351] : memref<2x352xf32, #tpu.memory_space<vmem>>[vector<16xi32>, vector<16xi32>], vector<16xf32>,
      %parallel_loop3A_353 = arith.constant 0 : i32
      %parallel_loop3A_354 = arith.constant 0 : i32
      %parallel_loop3A_355 = arith.index_cast %parallel_loop3A_353 : i32 to index
      %parallel_loop3A_356 = arith.index_cast %parallel_loop3A_354 : i32 to index
      %parallel_loop3A_357 = arith.index_cast %parallel_loop3A_340 : i32 to index
      %parallel_loop3A_358 = arith.index_cast %parallel_loop3A_344 : i32 to index
      %parallel_loop3A_359 = tpu.vector_load %arg10[%parallel_loop3A_355, %parallel_loop3A_356, %parallel_loop3A_357, %parallel_loop3A_358] {strides = array<i32>} : memref<2x4x32x128xf32, #tpu.memory_space<vmem>>, vector<16xf32>,
      %parallel_loop3A_360 = arith.mulf %parallel_loop3A_352, %parallel_loop3A_359 : vector<16xf32>
      %parallel_loop3A_361 = arith.constant 0 : i32
      %parallel_loop3A_362 = arith.constant 1 : i32
      %parallel_loop3A_363 = arith.index_cast %parallel_loop3A_361 : i32 to index
      %parallel_loop3A_364 = arith.index_cast %parallel_loop3A_362 : i32 to index
      %parallel_loop3A_365 = arith.index_cast %parallel_loop3A_340 : i32 to index
      %parallel_loop3A_366 = arith.index_cast %parallel_loop3A_344 : i32 to index
      %parallel_loop3A_367 = tpu.vector_load %arg9[%parallel_loop3A_363, %parallel_loop3A_364, %parallel_loop3A_365, %parallel_loop3A_366] {strides = array<i32>} : memref<2x4x32x128xi32, #tpu.memory_space<vmem>>, vector<16xi32>,
      %parallel_loop3A_368 = tpu.vector_load_idx %arg7[%broadcast_in_dim3A, %parallel_loop3A_367] : memref<2x352xf32, #tpu.memory_space<vmem>>[vector<16xi32>, vector<16xi32>], vector<16xf32>,
      %parallel_loop3A_369 = arith.constant 0 : i32
      %parallel_loop3A_370 = arith.constant 1 : i32
      %parallel_loop3A_371 = arith.index_cast %parallel_loop3A_369 : i32 to index
      %parallel_loop3A_372 = arith.index_cast %parallel_loop3A_370 : i32 to index
      %parallel_loop3A_373 = arith.index_cast %parallel_loop3A_340 : i32 to index
      %parallel_loop3A_374 = arith.index_cast %parallel_loop3A_344 : i32 to index
      %parallel_loop3A_375 = tpu.vector_load %arg10[%parallel_loop3A_371, %parallel_loop3A_372, %parallel_loop3A_373, %parallel_loop3A_374] {strides = array<i32>} : memref<2x4x32x128xf32, #tpu.memory_space<vmem>>, vector<16xf32>,
      %parallel_loop3A_376 = arith.mulf %parallel_loop3A_368, %parallel_loop3A_375 : vector<16xf32>
      %parallel_loop3A_377 = arith.maximumf %parallel_loop3A_360, %parallel_loop3A_376 : vector<16xf32>
      %parallel_loop3A_378 = arith.constant 0 : i32
      %parallel_loop3A_379 = arith.constant 2 : i32
      %parallel_loop3A_380 = arith.index_cast %parallel_loop3A_378 : i32 to index
      %parallel_loop3A_381 = arith.index_cast %parallel_loop3A_379 : i32 to index
      %parallel_loop3A_382 = arith.index_cast %parallel_loop3A_340 : i32 to index
      %parallel_loop3A_383 = arith.index_cast %parallel_loop3A_344 : i32 to index
      %parallel_loop3A_384 = tpu.vector_load %arg9[%parallel_loop3A_380, %parallel_loop3A_381, %parallel_loop3A_382, %parallel_loop3A_383] {strides = array<i32>} : memref<2x4x32x128xi32, #tpu.memory_space<vmem>>, vector<16xi32>,
      %parallel_loop3A_385 = tpu.vector_load_idx %arg7[%broadcast_in_dim3A, %parallel_loop3A_384] : memref<2x352xf32, #tpu.memory_space<vmem>>[vector<16xi32>, vector<16xi32>], vector<16xf32>,
      %parallel_loop3A_386 = arith.constant 0 : i32
      %parallel_loop3A_387 = arith.constant 2 : i32
      %parallel_loop3A_388 = arith.index_cast %parallel_loop3A_386 : i32 to index
      %parallel_loop3A_389 = arith.index_cast %parallel_loop3A_387 : i32 to index
      %parallel_loop3A_390 = arith.index_cast %parallel_loop3A_340 : i32 to index
      %parallel_loop3A_391 = arith.index_cast %parallel_loop3A_344 : i32 to index
      %parallel_loop3A_392 = tpu.vector_load %arg10[%parallel_loop3A_388, %parallel_loop3A_389, %parallel_loop3A_390, %parallel_loop3A_391] {strides = array<i32>} : memref<2x4x32x128xf32, #tpu.memory_space<vmem>>, vector<16xf32>,
      %parallel_loop3A_393 = arith.mulf %parallel_loop3A_385, %parallel_loop3A_392 : vector<16xf32>
      %parallel_loop3A_394 = arith.maximumf %parallel_loop3A_377, %parallel_loop3A_393 : vector<16xf32>
      %parallel_loop3A_395 = arith.constant 0 : i32
      %parallel_loop3A_396 = arith.constant 3 : i32
      %parallel_loop3A_397 = arith.index_cast %parallel_loop3A_395 : i32 to index
      %parallel_loop3A_398 = arith.index_cast %parallel_loop3A_396 : i32 to index
      %parallel_loop3A_399 = arith.index_cast %parallel_loop3A_340 : i32 to index
      %parallel_loop3A_400 = arith.index_cast %parallel_loop3A_344 : i32 to index
      %parallel_loop3A_401 = tpu.vector_load %arg9[%parallel_loop3A_397, %parallel_loop3A_398, %parallel_loop3A_399, %parallel_loop3A_400] {strides = array<i32>} : memref<2x4x32x128xi32, #tpu.memory_space<vmem>>, vector<16xi32>,
      %parallel_loop3A_402 = tpu.vector_load_idx %arg7[%broadcast_in_dim3A, %parallel_loop3A_401] : memref<2x352xf32, #tpu.memory_space<vmem>>[vector<16xi32>, vector<16xi32>], vector<16xf32>,
      %parallel_loop3A_403 = arith.constant 0 : i32
      %parallel_loop3A_404 = arith.constant 3 : i32
      %parallel_loop3A_405 = arith.index_cast %parallel_loop3A_403 : i32 to index
      %parallel_loop3A_406 = arith.index_cast %parallel_loop3A_404 : i32 to index
      %parallel_loop3A_407 = arith.index_cast %parallel_loop3A_340 : i32 to index
      %parallel_loop3A_408 = arith.index_cast %parallel_loop3A_344 : i32 to index
      %parallel_loop3A_409 = tpu.vector_load %arg10[%parallel_loop3A_405, %parallel_loop3A_406, %parallel_loop3A_407, %parallel_loop3A_408] {strides = array<i32>} : memref<2x4x32x128xf32, #tpu.memory_space<vmem>>, vector<16xf32>,
      %parallel_loop3A_410 = arith.mulf %parallel_loop3A_402, %parallel_loop3A_409 : vector<16xf32>
      %parallel_loop3A_411 = arith.maximumf %parallel_loop3A_394, %parallel_loop3A_410 : vector<16xf32>
      %parallel_loop3A_412 = arith.mulf %parallel_loop3A_411, %get3A_143 : vector<16xf32>
      %parallel_loop3A_413 = arith.constant 0 : i32
      %parallel_loop3A_414 = arith.index_cast %parallel_loop3A_413 : i32 to index
      %parallel_loop3A_415 = arith.index_cast %parallel_loop3A_340 : i32 to index
      %parallel_loop3A_416 = arith.index_cast %parallel_loop3A_344 : i32 to index
      %parallel_loop3A_417 = tpu.vector_load %arg11[%parallel_loop3A_414, %parallel_loop3A_415, %parallel_loop3A_416] {strides = array<i32>} : memref<2x32x128xf32, #tpu.memory_space<vmem>>, vector<16xf32>,
      tpu.vector_store %arg11[%parallel_loop3A_414, %parallel_loop3A_415, %parallel_loop3A_416], %parallel_loop3A_412 {strides = array<i32>} : memref<2x32x128xf32, #tpu.memory_space<vmem>>, vector<16xf32>,
    } {sc.loop_unroll_factor = 4 : i64, sc.parallel_access}
    %dma_start3A_146 = arith.constant 0 : i32
    %dma_start3A_147 = arith.constant 0 : i32
    %dma_start3A_148 = arith.constant 0 : i32
    %dma_start3A_149 = tpu.memref_slice %arg11[%dma_start3A_146, %dma_start3A_147, %dma_start3A_148] : memref<2x32x128xf32, #tpu.memory_space<vmem>> -> memref<1x32x128xf32, #tpu.memory_space<vmem>>
    %dma_start3A_150 = tpu.memref_squeeze %dma_start3A_149 : memref<1x32x128xf32, #tpu.memory_space<vmem>> -> memref<32x128xf32, #tpu.memory_space<vmem>>
    %dma_start3A_151 = arith.constant 0 : i32
    %dma_start3A_152 = arith.constant 0 : i32
    %dma_start3A_153 = tpu.memref_slice %arg6[%shift_right_logical3A_3, %and3A_4, %dma_start3A_151, %dma_start3A_152] : memref<3x64x64x128xf32, #tpu.memory_space<hbm>> -> memref<1x1x32x128xf32, #tpu.memory_space<hbm>>
    %dma_start3A_154 = tpu.memref_squeeze %dma_start3A_153 : memref<1x1x32x128xf32, #tpu.memory_space<hbm>> -> memref<32x128xf32, #tpu.memory_space<hbm>>
    %dma_start3A_155 = arith.constant 0 : i32
    %dma_start3A_156 = arith.constant 0 : i32
    %dma_start3A_157 = tpu.memref_slice %arg6[%shift_right_logical3A_3, %and3A_4, %dma_start3A_155, %dma_start3A_156] : memref<3x64x64x128xf32, #tpu.memory_space<hbm>> -> memref<1x1x32x128xf32, #tpu.memory_space<hbm>>
    %dma_start3A_158 = tpu.memref_squeeze %dma_start3A_157 : memref<1x1x32x128xf32, #tpu.memory_space<hbm>> -> memref<32x128xf32, #tpu.memory_space<hbm>>
    %dma_start3A_159 = arith.constant 0 : i32
    %dma_start3A_160 = arith.constant 0 : i32
    %dma_start3A_161 = tpu.memref_slice %arg11[%dma_start3A_146, %dma_start3A_159, %dma_start3A_160] : memref<2x32x128xf32, #tpu.memory_space<vmem>> -> memref<1x32x128xf32, #tpu.memory_space<vmem>>
    %dma_start3A_162 = tpu.memref_squeeze %dma_start3A_161 : memref<1x32x128xf32, #tpu.memory_space<vmem>> -> memref<32x128xf32, #tpu.memory_space<vmem>>
    tpu.enqueue_dma source(%dma_start3A_162 : memref<32x128xf32, #tpu.memory_space<vmem>>) target(%dma_start3A_158 : memref<32x128xf32, #tpu.memory_space<hbm>>) target_semaphore(%arg16 : memref<!tpu.dma_semaphore, #tpu.memory_space<semaphore_mem>>)
    %mul3A_163 = arith.constant 6 : i32
    %mul3A_164 = arith.muli %add3A, %mul3A_163 : i32
    %add3A_165 = arith.constant 1 : i32
    %add3A_166 = arith.addi %mul3A_164, %add3A_165 : i32
    %shift_right_logical3A_167 = arith.constant 6 : i32
    %shift_right_logical3A_168 = arith.shrui %add3A_166, %shift_right_logical3A_167 : i32
    %and3A_169 = arith.constant 63 : i32
    %and3A_170 = arith.andi %add3A_166, %and3A_169 : i32
    %eq3A_171 = arith.constant 2 : i32
    %eq3A_172 = arith.cmpi eq, %shift_right_logical3A_168, %eq3A_171 : i32
    %add3A_173 = arith.constant 1 : i32
    %add3A_174 = arith.addi %shift_right_logical3A_168, %add3A_173 : i32
    %jit3A_175 = arith.constant 0 : i32
    %select_n3A_176 = arith.select %eq3A_172, %jit3A_175, %add3A_174 : i32
    %eq3A_177 = arith.constant 1 : i32
    %eq3A_178 = arith.cmpi eq, %shift_right_logical3A_168, %eq3A_177 : i32
    %jit3A_179 = arith.constant 1 : i32
    %jit3A_180 = arith.constant 0 : i32
    %select_n3A_181 = arith.select %eq3A_178, %jit3A_179, %jit3A_180 : i32
    %dma_start3A_182 = arith.constant 0 : i32
    %dma_start3A_183 = arith.constant 0 : i32
    %dma_start3A_184 = arith.constant 0 : i32
    %dma_start3A_185 = arith.constant 0 : i32
    %dma_start3A_186 = tpu.memref_slice %arg9[%dma_start3A_182, %dma_start3A_183, %dma_start3A_184, %dma_start3A_185] : memref<2x4x32x128xi32, #tpu.memory_space<vmem>> -> memref<1x4x32x128xi32, #tpu.memory_space<vmem>>
    %dma_start3A_187 = tpu.memref_squeeze %dma_start3A_186 : memref<1x4x32x128xi32, #tpu.memory_space<vmem>> -> memref<4x32x128xi32, #tpu.memory_space<vmem>>
    %dma_start3A_188 = arith.constant 0 : i32
    %dma_start3A_189 = arith.constant 0 : i32
    %dma_start3A_190 = arith.constant 0 : i32
    %dma_start3A_191 = tpu.memref_slice %arg2[%select_n3A_176, %dma_start3A_188, %and3A_170, %dma_start3A_189, %dma_start3A_190] : memref<3x4x64x64x128xi32, #tpu.memory_space<hbm>> -> memref<1x4x1x32x128xi32, #tpu.memory_space<hbm>>
    %dma_start3A_192 = tpu.memref_squeeze %dma_start3A_191 : memref<1x4x1x32x128xi32, #tpu.memory_space<hbm>> -> memref<4x32x128xi32, #tpu.memory_space<hbm>>
    %dma_start3A_193 = arith.constant 0 : i32
    %dma_start3A_194 = arith.constant 0 : i32
    %dma_start3A_195 = arith.constant 0 : i32
    %dma_start3A_196 = tpu.memref_slice %arg9[%dma_start3A_182, %dma_start3A_193, %dma_start3A_194, %dma_start3A_195] : memref<2x4x32x128xi32, #tpu.memory_space<vmem>> -> memref<1x4x32x128xi32, #tpu.memory_space<vmem>>
    %dma_start3A_197 = tpu.memref_squeeze %dma_start3A_196 : memref<1x4x32x128xi32, #tpu.memory_space<vmem>> -> memref<4x32x128xi32, #tpu.memory_space<vmem>>
    %dma_start3A_198 = arith.constant 0 : i32
    %dma_start3A_199 = arith.constant 0 : i32
    %dma_start3A_200 = arith.constant 0 : i32
    %dma_start3A_201 = tpu.memref_slice %arg2[%select_n3A_176, %dma_start3A_198, %and3A_170, %dma_start3A_199, %dma_start3A_200] : memref<3x4x64x64x128xi32, #tpu.memory_space<hbm>> -> memref<1x4x1x32x128xi32, #tpu.memory_space<hbm>>
    %dma_start3A_202 = tpu.memref_squeeze %dma_start3A_201 : memref<1x4x1x32x128xi32, #tpu.memory_space<hbm>> -> memref<4x32x128xi32, #tpu.memory_space<hbm>>
    tpu.enqueue_dma source(%dma_start3A_202 : memref<4x32x128xi32, #tpu.memory_space<hbm>>) target(%dma_start3A_197 : memref<4x32x128xi32, #tpu.memory_space<vmem>>) target_semaphore(%arg12 : memref<!tpu.dma_semaphore, #tpu.memory_space<semaphore_mem>>)
    %dma_start3A_203 = arith.constant 0 : i32
    %dma_start3A_204 = arith.constant 0 : i32
    %dma_start3A_205 = arith.constant 0 : i32
    %dma_start3A_206 = arith.constant 0 : i32
    %dma_start3A_207 = tpu.memref_slice %arg10[%dma_start3A_203, %dma_start3A_204, %dma_start3A_205, %dma_start3A_206] : memref<2x4x32x128xf32, #tpu.memory_space<vmem>> -> memref<1x4x32x128xf32, #tpu.memory_space<vmem>>
    %dma_start3A_208 = tpu.memref_squeeze %dma_start3A_207 : memref<1x4x32x128xf32, #tpu.memory_space<vmem>> -> memref<4x32x128xf32, #tpu.memory_space<vmem>>
    %dma_start3A_209 = arith.constant 0 : i32
    %dma_start3A_210 = arith.constant 0 : i32
    %dma_start3A_211 = arith.constant 0 : i32
    %dma_start3A_212 = tpu.memref_slice %arg3[%select_n3A_176, %dma_start3A_209, %and3A_170, %dma_start3A_210, %dma_start3A_211] : memref<3x4x64x64x128xf32, #tpu.memory_space<hbm>> -> memref<1x4x1x32x128xf32, #tpu.memory_space<hbm>>
    %dma_start3A_213 = tpu.memref_squeeze %dma_start3A_212 : memref<1x4x1x32x128xf32, #tpu.memory_space<hbm>> -> memref<4x32x128xf32, #tpu.memory_space<hbm>>
    %dma_start3A_214 = arith.constant 0 : i32
    %dma_start3A_215 = arith.constant 0 : i32
    %dma_start3A_216 = arith.constant 0 : i32
    %dma_start3A_217 = tpu.memref_slice %arg10[%dma_start3A_203, %dma_start3A_214, %dma_start3A_215, %dma_start3A_216] : memref<2x4x32x128xf32, #tpu.memory_space<vmem>> -> memref<1x4x32x128xf32, #tpu.memory_space<vmem>>
    %dma_start3A_218 = tpu.memref_squeeze %dma_start3A_217 : memref<1x4x32x128xf32, #tpu.memory_space<vmem>> -> memref<4x32x128xf32, #tpu.memory_space<vmem>>
    %dma_start3A_219 = arith.constant 0 : i32
    %dma_start3A_220 = arith.constant 0 : i32
    %dma_start3A_221 = arith.constant 0 : i32
    %dma_start3A_222 = tpu.memref_slice %arg3[%select_n3A_176, %dma_start3A_219, %and3A_170, %dma_start3A_220, %dma_start3A_221] : memref<3x4x64x64x128xf32, #tpu.memory_space<hbm>> -> memref<1x4x1x32x128xf32, #tpu.memory_space<hbm>>
    %dma_start3A_223 = tpu.memref_squeeze %dma_start3A_222 : memref<1x4x1x32x128xf32, #tpu.memory_space<hbm>> -> memref<4x32x128xf32, #tpu.memory_space<hbm>>
    tpu.enqueue_dma source(%dma_start3A_223 : memref<4x32x128xf32, #tpu.memory_space<hbm>>) target(%dma_start3A_218 : memref<4x32x128xf32, #tpu.memory_space<vmem>>) target_semaphore(%arg14 : memref<!tpu.dma_semaphore, #tpu.memory_space<semaphore_mem>>)
    %dma_wait3A_224 = arith.constant 0 : i32
    %dma_wait3A_225 = arith.constant 0 : i32
    %dma_wait3A_226 = arith.constant 1 : i32
    %dma_wait3A_227 = arith.constant 0 : i32
    %dma_wait3A_228 = arith.constant 0 : i32
    %dma_wait3A_229 = arith.constant 0 : i32
    %dma_wait3A_230 = tpu.memref_slice %arg9[%dma_wait3A_226, %dma_wait3A_227, %dma_wait3A_228, %dma_wait3A_229] : memref<2x4x32x128xi32, #tpu.memory_space<vmem>> -> memref<1x4x32x128xi32, #tpu.memory_space<vmem>>
    %dma_wait3A_231 = tpu.memref_squeeze %dma_wait3A_230 : memref<1x4x32x128xi32, #tpu.memory_space<vmem>> -> memref<4x32x128xi32, #tpu.memory_space<vmem>>
    %dma_wait3A_232 = arith.constant 0 : i32
    %dma_wait3A_233 = arith.constant 0 : i32
    %dma_wait3A_234 = arith.constant 0 : i32
    %dma_wait3A_235 = tpu.memref_slice %arg2[%dma_wait3A_224, %dma_wait3A_232, %dma_wait3A_225, %dma_wait3A_233, %dma_wait3A_234] : memref<3x4x64x64x128xi32, #tpu.memory_space<hbm>> -> memref<1x4x1x32x128xi32, #tpu.memory_space<hbm>>
    %dma_wait3A_236 = tpu.memref_squeeze %dma_wait3A_235 : memref<1x4x1x32x128xi32, #tpu.memory_space<hbm>> -> memref<4x32x128xi32, #tpu.memory_space<hbm>>
    %dma_wait3A_237 = arith.constant 0 : i32
    %dma_wait3A_238 = arith.constant 0 : i32
    %dma_wait3A_239 = arith.constant 0 : i32
    %dma_wait3A_240 = tpu.memref_slice %arg9[%dma_wait3A_226, %dma_wait3A_237, %dma_wait3A_238, %dma_wait3A_239] : memref<2x4x32x128xi32, #tpu.memory_space<vmem>> -> memref<1x4x32x128xi32, #tpu.memory_space<vmem>>
    %dma_wait3A_241 = tpu.memref_squeeze %dma_wait3A_240 : memref<1x4x32x128xi32, #tpu.memory_space<vmem>> -> memref<4x32x128xi32, #tpu.memory_space<vmem>>
    %dma_wait3A_242 = arith.constant 0 : i32
    %dma_wait3A_243 = arith.constant 0 : i32
    %dma_wait3A_244 = arith.constant 0 : i32
    %dma_wait3A_245 = tpu.memref_slice %arg2[%dma_wait3A_224, %dma_wait3A_242, %dma_wait3A_225, %dma_wait3A_243, %dma_wait3A_244] : memref<3x4x64x64x128xi32, #tpu.memory_space<hbm>> -> memref<1x4x1x32x128xi32, #tpu.memory_space<hbm>>
    %dma_wait3A_246 = tpu.memref_squeeze %dma_wait3A_245 : memref<1x4x1x32x128xi32, #tpu.memory_space<hbm>> -> memref<4x32x128xi32, #tpu.memory_space<hbm>>
    tpu.wait_dma2 semaphore(%arg13 : memref<!tpu.dma_semaphore, #tpu.memory_space<semaphore_mem>>) src(%dma_wait3A_246 : memref<4x32x128xi32, #tpu.memory_space<hbm>>) dst(%dma_wait3A_241 : memref<4x32x128xi32, #tpu.memory_space<vmem>>)
    %dma_wait3A_247 = arith.constant 0 : i32
    %dma_wait3A_248 = arith.constant 0 : i32
    %dma_wait3A_249 = arith.constant 1 : i32
    %dma_wait3A_250 = arith.constant 0 : i32
    %dma_wait3A_251 = arith.constant 0 : i32
    %dma_wait3A_252 = arith.constant 0 : i32
    %dma_wait3A_253 = tpu.memref_slice %arg10[%dma_wait3A_249, %dma_wait3A_250, %dma_wait3A_251, %dma_wait3A_252] : memref<2x4x32x128xf32, #tpu.memory_space<vmem>> -> memref<1x4x32x128xf32, #tpu.memory_space<vmem>>
    %dma_wait3A_254 = tpu.memref_squeeze %dma_wait3A_253 : memref<1x4x32x128xf32, #tpu.memory_space<vmem>> -> memref<4x32x128xf32, #tpu.memory_space<vmem>>
    %dma_wait3A_255 = arith.constant 0 : i32
    %dma_wait3A_256 = arith.constant 0 : i32
    %dma_wait3A_257 = arith.constant 0 : i32
    %dma_wait3A_258 = tpu.memref_slice %arg3[%dma_wait3A_247, %dma_wait3A_255, %dma_wait3A_248, %dma_wait3A_256, %dma_wait3A_257] : memref<3x4x64x64x128xf32, #tpu.memory_space<hbm>> -> memref<1x4x1x32x128xf32, #tpu.memory_space<hbm>>
    %dma_wait3A_259 = tpu.memref_squeeze %dma_wait3A_258 : memref<1x4x1x32x128xf32, #tpu.memory_space<hbm>> -> memref<4x32x128xf32, #tpu.memory_space<hbm>>
    %dma_wait3A_260 = arith.constant 0 : i32
    %dma_wait3A_261 = arith.constant 0 : i32
    %dma_wait3A_262 = arith.constant 0 : i32
    %dma_wait3A_263 = tpu.memref_slice %arg10[%dma_wait3A_249, %dma_wait3A_260, %dma_wait3A_261, %dma_wait3A_262] : memref<2x4x32x128xf32, #tpu.memory_space<vmem>> -> memref<1x4x32x128xf32, #tpu.memory_space<vmem>>
    %dma_wait3A_264 = tpu.memref_squeeze %dma_wait3A_263 : memref<1x4x32x128xf32, #tpu.memory_space<vmem>> -> memref<4x32x128xf32, #tpu.memory_space<vmem>>
    %dma_wait3A_265 = arith.constant 0 : i32
    %dma_wait3A_266 = arith.constant 0 : i32
    %dma_wait3A_267 = arith.constant 0 : i32
    %dma_wait3A_268 = tpu.memref_slice %arg3[%dma_wait3A_247, %dma_wait3A_265, %dma_wait3A_248, %dma_wait3A_266, %dma_wait3A_267] : memref<3x4x64x64x128xf32, #tpu.memory_space<hbm>> -> memref<1x4x1x32x128xf32, #tpu.memory_space<hbm>>
    %dma_wait3A_269 = tpu.memref_squeeze %dma_wait3A_268 : memref<1x4x1x32x128xf32, #tpu.memory_space<hbm>> -> memref<4x32x128xf32, #tpu.memory_space<hbm>>
    tpu.wait_dma2 semaphore(%arg15 : memref<!tpu.dma_semaphore, #tpu.memory_space<semaphore_mem>>) src(%dma_wait3A_269 : memref<4x32x128xf32, #tpu.memory_space<hbm>>) dst(%dma_wait3A_264 : memref<4x32x128xf32, #tpu.memory_space<vmem>>)
    %broadcast_in_dim3A_270 = vector.broadcast %select_n3A_12 : i32 to vector<16xi32>
    %mul3A_271 = arith.constant 16 : i32
    %mul3A_272 = arith.muli %select_n3A_12, %mul3A_271 : i32
    %get3A_273 = arith.index_cast %mul3A_272 : i32 to index
    %get3A_274 = tpu.vector_load %arg8[%get3A_273] {strides = array<i32>} : memref<32xf32, #tpu.memory_space<vmem>>, vector<16xf32>,
    %parallel_loop3A_275 = arith.constant 0 : i32
    %parallel_loop3A_276 = arith.constant 256 : i32
    %parallel_loop3A_277 = arith.constant 1 : i32
    scf.for %parallel_loop3A_338 = %parallel_loop3A_275 to %parallel_loop3A_276 step %parallel_loop3A_277  : i32 {
      %parallel_loop3A_339 = arith.constant 3 : i32
      %parallel_loop3A_340 = arith.shrsi %parallel_loop3A_338, %parallel_loop3A_339 : i32
      %parallel_loop3A_341 = arith.constant 7 : i32
      %parallel_loop3A_342 = arith.andi %parallel_loop3A_338, %parallel_loop3A_341 : i32
      %parallel_loop3A_343 = arith.constant 16 : i32
      %parallel_loop3A_344 = arith.muli %parallel_loop3A_342, %parallel_loop3A_343 : i32
      %parallel_loop3A_345 = arith.constant 1 : i32
      %parallel_loop3A_346 = arith.constant 0 : i32
      %parallel_loop3A_347 = arith.index_cast %parallel_loop3A_345 : i32 to index
      %parallel_loop3A_348 = arith.index_cast %parallel_loop3A_346 : i32 to index
      %parallel_loop3A_349 = arith.index_cast %parallel_loop3A_340 : i32 to index
      %parallel_loop3A_350 = arith.index_cast %parallel_loop3A_344 : i32 to index
      %parallel_loop3A_351 = tpu.vector_load %arg9[%parallel_loop3A_347, %parallel_loop3A_348, %parallel_loop3A_349, %parallel_loop3A_350] {strides = array<i32>} : memref<2x4x32x128xi32, #tpu.memory_space<vmem>>, vector<16xi32>,
      %parallel_loop3A_352 = tpu.vector_load_idx %arg7[%broadcast_in_dim3A_270, %parallel_loop3A_351] : memref<2x352xf32, #tpu.memory_space<vmem>>[vector<16xi32>, vector<16xi32>], vector<16xf32>,
      %parallel_loop3A_353 = arith.constant 1 : i32
      %parallel_loop3A_354 = arith.constant 0 : i32
      %parallel_loop3A_355 = arith.index_cast %parallel_loop3A_353 : i32 to index
      %parallel_loop3A_356 = arith.index_cast %parallel_loop3A_354 : i32 to index
      %parallel_loop3A_357 = arith.index_cast %parallel_loop3A_340 : i32 to index
      %parallel_loop3A_358 = arith.index_cast %parallel_loop3A_344 : i32 to index
      %parallel_loop3A_359 = tpu.vector_load %arg10[%parallel_loop3A_355, %parallel_loop3A_356, %parallel_loop3A_357, %parallel_loop3A_358] {strides = array<i32>} : memref<2x4x32x128xf32, #tpu.memory_space<vmem>>, vector<16xf32>,
      %parallel_loop3A_360 = arith.mulf %parallel_loop3A_352, %parallel_loop3A_359 : vector<16xf32>
      %parallel_loop3A_361 = arith.constant 1 : i32
      %parallel_loop3A_362 = arith.constant 1 : i32
      %parallel_loop3A_363 = arith.index_cast %parallel_loop3A_361 : i32 to index
      %parallel_loop3A_364 = arith.index_cast %parallel_loop3A_362 : i32 to index
      %parallel_loop3A_365 = arith.index_cast %parallel_loop3A_340 : i32 to index
      %parallel_loop3A_366 = arith.index_cast %parallel_loop3A_344 : i32 to index
      %parallel_loop3A_367 = tpu.vector_load %arg9[%parallel_loop3A_363, %parallel_loop3A_364, %parallel_loop3A_365, %parallel_loop3A_366] {strides = array<i32>} : memref<2x4x32x128xi32, #tpu.memory_space<vmem>>, vector<16xi32>,
      %parallel_loop3A_368 = tpu.vector_load_idx %arg7[%broadcast_in_dim3A_270, %parallel_loop3A_367] : memref<2x352xf32, #tpu.memory_space<vmem>>[vector<16xi32>, vector<16xi32>], vector<16xf32>,
      %parallel_loop3A_369 = arith.constant 1 : i32
      %parallel_loop3A_370 = arith.constant 1 : i32
      %parallel_loop3A_371 = arith.index_cast %parallel_loop3A_369 : i32 to index
      %parallel_loop3A_372 = arith.index_cast %parallel_loop3A_370 : i32 to index
      %parallel_loop3A_373 = arith.index_cast %parallel_loop3A_340 : i32 to index
      %parallel_loop3A_374 = arith.index_cast %parallel_loop3A_344 : i32 to index
      %parallel_loop3A_375 = tpu.vector_load %arg10[%parallel_loop3A_371, %parallel_loop3A_372, %parallel_loop3A_373, %parallel_loop3A_374] {strides = array<i32>} : memref<2x4x32x128xf32, #tpu.memory_space<vmem>>, vector<16xf32>,
      %parallel_loop3A_376 = arith.mulf %parallel_loop3A_368, %parallel_loop3A_375 : vector<16xf32>
      %parallel_loop3A_377 = arith.maximumf %parallel_loop3A_360, %parallel_loop3A_376 : vector<16xf32>
      %parallel_loop3A_378 = arith.constant 1 : i32
      %parallel_loop3A_379 = arith.constant 2 : i32
      %parallel_loop3A_380 = arith.index_cast %parallel_loop3A_378 : i32 to index
      %parallel_loop3A_381 = arith.index_cast %parallel_loop3A_379 : i32 to index
      %parallel_loop3A_382 = arith.index_cast %parallel_loop3A_340 : i32 to index
      %parallel_loop3A_383 = arith.index_cast %parallel_loop3A_344 : i32 to index
      %parallel_loop3A_384 = tpu.vector_load %arg9[%parallel_loop3A_380, %parallel_loop3A_381, %parallel_loop3A_382, %parallel_loop3A_383] {strides = array<i32>} : memref<2x4x32x128xi32, #tpu.memory_space<vmem>>, vector<16xi32>,
      %parallel_loop3A_385 = tpu.vector_load_idx %arg7[%broadcast_in_dim3A_270, %parallel_loop3A_384] : memref<2x352xf32, #tpu.memory_space<vmem>>[vector<16xi32>, vector<16xi32>], vector<16xf32>,
      %parallel_loop3A_386 = arith.constant 1 : i32
      %parallel_loop3A_387 = arith.constant 2 : i32
      %parallel_loop3A_388 = arith.index_cast %parallel_loop3A_386 : i32 to index
      %parallel_loop3A_389 = arith.index_cast %parallel_loop3A_387 : i32 to index
      %parallel_loop3A_390 = arith.index_cast %parallel_loop3A_340 : i32 to index
      %parallel_loop3A_391 = arith.index_cast %parallel_loop3A_344 : i32 to index
      %parallel_loop3A_392 = tpu.vector_load %arg10[%parallel_loop3A_388, %parallel_loop3A_389, %parallel_loop3A_390, %parallel_loop3A_391] {strides = array<i32>} : memref<2x4x32x128xf32, #tpu.memory_space<vmem>>, vector<16xf32>,
      %parallel_loop3A_393 = arith.mulf %parallel_loop3A_385, %parallel_loop3A_392 : vector<16xf32>
      %parallel_loop3A_394 = arith.maximumf %parallel_loop3A_377, %parallel_loop3A_393 : vector<16xf32>
      %parallel_loop3A_395 = arith.constant 1 : i32
      %parallel_loop3A_396 = arith.constant 3 : i32
      %parallel_loop3A_397 = arith.index_cast %parallel_loop3A_395 : i32 to index
      %parallel_loop3A_398 = arith.index_cast %parallel_loop3A_396 : i32 to index
      %parallel_loop3A_399 = arith.index_cast %parallel_loop3A_340 : i32 to index
      %parallel_loop3A_400 = arith.index_cast %parallel_loop3A_344 : i32 to index
      %parallel_loop3A_401 = tpu.vector_load %arg9[%parallel_loop3A_397, %parallel_loop3A_398, %parallel_loop3A_399, %parallel_loop3A_400] {strides = array<i32>} : memref<2x4x32x128xi32, #tpu.memory_space<vmem>>, vector<16xi32>,
      %parallel_loop3A_402 = tpu.vector_load_idx %arg7[%broadcast_in_dim3A_270, %parallel_loop3A_401] : memref<2x352xf32, #tpu.memory_space<vmem>>[vector<16xi32>, vector<16xi32>], vector<16xf32>,
      %parallel_loop3A_403 = arith.constant 1 : i32
      %parallel_loop3A_404 = arith.constant 3 : i32
      %parallel_loop3A_405 = arith.index_cast %parallel_loop3A_403 : i32 to index
      %parallel_loop3A_406 = arith.index_cast %parallel_loop3A_404 : i32 to index
      %parallel_loop3A_407 = arith.index_cast %parallel_loop3A_340 : i32 to index
      %parallel_loop3A_408 = arith.index_cast %parallel_loop3A_344 : i32 to index
      %parallel_loop3A_409 = tpu.vector_load %arg10[%parallel_loop3A_405, %parallel_loop3A_406, %parallel_loop3A_407, %parallel_loop3A_408] {strides = array<i32>} : memref<2x4x32x128xf32, #tpu.memory_space<vmem>>, vector<16xf32>,
      %parallel_loop3A_410 = arith.mulf %parallel_loop3A_402, %parallel_loop3A_409 : vector<16xf32>
      %parallel_loop3A_411 = arith.maximumf %parallel_loop3A_394, %parallel_loop3A_410 : vector<16xf32>
      %parallel_loop3A_412 = arith.mulf %parallel_loop3A_411, %get3A_274 : vector<16xf32>
      %parallel_loop3A_413 = arith.constant 1 : i32
      %parallel_loop3A_414 = arith.index_cast %parallel_loop3A_413 : i32 to index
      %parallel_loop3A_415 = arith.index_cast %parallel_loop3A_340 : i32 to index
      %parallel_loop3A_416 = arith.index_cast %parallel_loop3A_344 : i32 to index
      %parallel_loop3A_417 = tpu.vector_load %arg11[%parallel_loop3A_414, %parallel_loop3A_415, %parallel_loop3A_416] {strides = array<i32>} : memref<2x32x128xf32, #tpu.memory_space<vmem>>, vector<16xf32>,
      tpu.vector_store %arg11[%parallel_loop3A_414, %parallel_loop3A_415, %parallel_loop3A_416], %parallel_loop3A_412 {strides = array<i32>} : memref<2x32x128xf32, #tpu.memory_space<vmem>>, vector<16xf32>,
    } {sc.loop_unroll_factor = 4 : i64, sc.parallel_access}
    %dma_start3A_278 = arith.constant 1 : i32
    %dma_start3A_279 = arith.constant 0 : i32
    %dma_start3A_280 = arith.constant 0 : i32
    %dma_start3A_281 = tpu.memref_slice %arg11[%dma_start3A_278, %dma_start3A_279, %dma_start3A_280] : memref<2x32x128xf32, #tpu.memory_space<vmem>> -> memref<1x32x128xf32, #tpu.memory_space<vmem>>
    %dma_start3A_282 = tpu.memref_squeeze %dma_start3A_281 : memref<1x32x128xf32, #tpu.memory_space<vmem>> -> memref<32x128xf32, #tpu.memory_space<vmem>>
    %dma_start3A_283 = arith.constant 32 : i32
    %dma_start3A_284 = arith.constant 0 : i32
    %dma_start3A_285 = tpu.memref_slice %arg6[%shift_right_logical3A_3, %and3A_4, %dma_start3A_283, %dma_start3A_284] : memref<3x64x64x128xf32, #tpu.memory_space<hbm>> -> memref<1x1x32x128xf32, #tpu.memory_space<hbm>>
    %dma_start3A_286 = tpu.memref_squeeze %dma_start3A_285 : memref<1x1x32x128xf32, #tpu.memory_space<hbm>> -> memref<32x128xf32, #tpu.memory_space<hbm>>
    %dma_start3A_287 = arith.constant 32 : i32
    %dma_start3A_288 = arith.constant 0 : i32
    %dma_start3A_289 = tpu.memref_slice %arg6[%shift_right_logical3A_3, %and3A_4, %dma_start3A_287, %dma_start3A_288] : memref<3x64x64x128xf32, #tpu.memory_space<hbm>> -> memref<1x1x32x128xf32, #tpu.memory_space<hbm>>
    %dma_start3A_290 = tpu.memref_squeeze %dma_start3A_289 : memref<1x1x32x128xf32, #tpu.memory_space<hbm>> -> memref<32x128xf32, #tpu.memory_space<hbm>>
    %dma_start3A_291 = arith.constant 0 : i32
    %dma_start3A_292 = arith.constant 0 : i32
    %dma_start3A_293 = tpu.memref_slice %arg11[%dma_start3A_278, %dma_start3A_291, %dma_start3A_292] : memref<2x32x128xf32, #tpu.memory_space<vmem>> -> memref<1x32x128xf32, #tpu.memory_space<vmem>>
    %dma_start3A_294 = tpu.memref_squeeze %dma_start3A_293 : memref<1x32x128xf32, #tpu.memory_space<vmem>> -> memref<32x128xf32, #tpu.memory_space<vmem>>
    tpu.enqueue_dma source(%dma_start3A_294 : memref<32x128xf32, #tpu.memory_space<vmem>>) target(%dma_start3A_290 : memref<32x128xf32, #tpu.memory_space<hbm>>) target_semaphore(%arg17 : memref<!tpu.dma_semaphore, #tpu.memory_space<semaphore_mem>>)
    %scan3A = arith.constant 0 : i32
    %scan3A_295 = arith.constant 1 : i32
    %scan3A_296 = arith.constant 5 : i32
    %scan3A_297 = arith.addi %scan3A_295, %scan3A_296 : i32
    %scan3A_298 = arith.constant 1 : i32
    scf.for %scan3A_338 = %scan3A_295 to %scan3A_297 step %scan3A_298  : i32 {
      %mul3A_339 = arith.constant 6 : i32
      %mul3A_340 = arith.muli %add3A, %mul3A_339 : i32
      %add3A_341 = arith.addi %mul3A_340, %scan3A_338 : i32
      %shift_right_logical3A_342 = arith.constant 6 : i32
      %shift_right_logical3A_343 = arith.shrui %add3A_341, %shift_right_logical3A_342 : i32
      %and3A_344 = arith.constant 63 : i32
      %and3A_345 = arith.andi %add3A_341, %and3A_344 : i32
      %eq3A_346 = arith.constant 2 : i32
      %eq3A_347 = arith.cmpi eq, %shift_right_logical3A_343, %eq3A_346 : i32
      %add3A_348 = arith.constant 1 : i32
      %add3A_349 = arith.addi %shift_right_logical3A_343, %add3A_348 : i32
      %jit3A_350 = arith.constant 0 : i32
      %select_n3A_351 = arith.select %eq3A_347, %jit3A_350, %add3A_349 : i32
      %eq3A_352 = arith.constant 1 : i32
      %eq3A_353 = arith.cmpi eq, %shift_right_logical3A_343, %eq3A_352 : i32
      %jit3A_354 = arith.constant 1 : i32
      %jit3A_355 = arith.constant 0 : i32
      %select_n3A_356 = arith.select %eq3A_353, %jit3A_354, %jit3A_355 : i32
      %dma_start3A_357 = arith.constant 1 : i32
      %dma_start3A_358 = arith.constant 0 : i32
      %dma_start3A_359 = arith.constant 0 : i32
      %dma_start3A_360 = arith.constant 0 : i32
      %dma_start3A_361 = tpu.memref_slice %arg9[%dma_start3A_357, %dma_start3A_358, %dma_start3A_359, %dma_start3A_360] : memref<2x4x32x128xi32, #tpu.memory_space<vmem>> -> memref<1x4x32x128xi32, #tpu.memory_space<vmem>>
      %dma_start3A_362 = tpu.memref_squeeze %dma_start3A_361 : memref<1x4x32x128xi32, #tpu.memory_space<vmem>> -> memref<4x32x128xi32, #tpu.memory_space<vmem>>
      %dma_start3A_363 = arith.constant 0 : i32
      %dma_start3A_364 = arith.constant 32 : i32
      %dma_start3A_365 = arith.constant 0 : i32
      %dma_start3A_366 = tpu.memref_slice %arg2[%select_n3A_351, %dma_start3A_363, %and3A_345, %dma_start3A_364, %dma_start3A_365] : memref<3x4x64x64x128xi32, #tpu.memory_space<hbm>> -> memref<1x4x1x32x128xi32, #tpu.memory_space<hbm>>
      %dma_start3A_367 = tpu.memref_squeeze %dma_start3A_366 : memref<1x4x1x32x128xi32, #tpu.memory_space<hbm>> -> memref<4x32x128xi32, #tpu.memory_space<hbm>>
      %dma_start3A_368 = arith.constant 0 : i32
      %dma_start3A_369 = arith.constant 0 : i32
      %dma_start3A_370 = arith.constant 0 : i32
      %dma_start3A_371 = tpu.memref_slice %arg9[%dma_start3A_357, %dma_start3A_368, %dma_start3A_369, %dma_start3A_370] : memref<2x4x32x128xi32, #tpu.memory_space<vmem>> -> memref<1x4x32x128xi32, #tpu.memory_space<vmem>>
      %dma_start3A_372 = tpu.memref_squeeze %dma_start3A_371 : memref<1x4x32x128xi32, #tpu.memory_space<vmem>> -> memref<4x32x128xi32, #tpu.memory_space<vmem>>
      %dma_start3A_373 = arith.constant 0 : i32
      %dma_start3A_374 = arith.constant 32 : i32
      %dma_start3A_375 = arith.constant 0 : i32
      %dma_start3A_376 = tpu.memref_slice %arg2[%select_n3A_351, %dma_start3A_373, %and3A_345, %dma_start3A_374, %dma_start3A_375] : memref<3x4x64x64x128xi32, #tpu.memory_space<hbm>> -> memref<1x4x1x32x128xi32, #tpu.memory_space<hbm>>
      %dma_start3A_377 = tpu.memref_squeeze %dma_start3A_376 : memref<1x4x1x32x128xi32, #tpu.memory_space<hbm>> -> memref<4x32x128xi32, #tpu.memory_space<hbm>>
      tpu.enqueue_dma source(%dma_start3A_377 : memref<4x32x128xi32, #tpu.memory_space<hbm>>) target(%dma_start3A_372 : memref<4x32x128xi32, #tpu.memory_space<vmem>>) target_semaphore(%arg13 : memref<!tpu.dma_semaphore, #tpu.memory_space<semaphore_mem>>)
      %dma_start3A_378 = arith.constant 1 : i32
      %dma_start3A_379 = arith.constant 0 : i32
      %dma_start3A_380 = arith.constant 0 : i32
      %dma_start3A_381 = arith.constant 0 : i32
      %dma_start3A_382 = tpu.memref_slice %arg10[%dma_start3A_378, %dma_start3A_379, %dma_start3A_380, %dma_start3A_381] : memref<2x4x32x128xf32, #tpu.memory_space<vmem>> -> memref<1x4x32x128xf32, #tpu.memory_space<vmem>>
      %dma_start3A_383 = tpu.memref_squeeze %dma_start3A_382 : memref<1x4x32x128xf32, #tpu.memory_space<vmem>> -> memref<4x32x128xf32, #tpu.memory_space<vmem>>
      %dma_start3A_384 = arith.constant 0 : i32
      %dma_start3A_385 = arith.constant 32 : i32
      %dma_start3A_386 = arith.constant 0 : i32
      %dma_start3A_387 = tpu.memref_slice %arg3[%select_n3A_351, %dma_start3A_384, %and3A_345, %dma_start3A_385, %dma_start3A_386] : memref<3x4x64x64x128xf32, #tpu.memory_space<hbm>> -> memref<1x4x1x32x128xf32, #tpu.memory_space<hbm>>
      %dma_start3A_388 = tpu.memref_squeeze %dma_start3A_387 : memref<1x4x1x32x128xf32, #tpu.memory_space<hbm>> -> memref<4x32x128xf32, #tpu.memory_space<hbm>>
      %dma_start3A_389 = arith.constant 0 : i32
      %dma_start3A_390 = arith.constant 0 : i32
      %dma_start3A_391 = arith.constant 0 : i32
      %dma_start3A_392 = tpu.memref_slice %arg10[%dma_start3A_378, %dma_start3A_389, %dma_start3A_390, %dma_start3A_391] : memref<2x4x32x128xf32, #tpu.memory_space<vmem>> -> memref<1x4x32x128xf32, #tpu.memory_space<vmem>>
      %dma_start3A_393 = tpu.memref_squeeze %dma_start3A_392 : memref<1x4x32x128xf32, #tpu.memory_space<vmem>> -> memref<4x32x128xf32, #tpu.memory_space<vmem>>
      %dma_start3A_394 = arith.constant 0 : i32
      %dma_start3A_395 = arith.constant 32 : i32
      %dma_start3A_396 = arith.constant 0 : i32
      %dma_start3A_397 = tpu.memref_slice %arg3[%select_n3A_351, %dma_start3A_394, %and3A_345, %dma_start3A_395, %dma_start3A_396] : memref<3x4x64x64x128xf32, #tpu.memory_space<hbm>> -> memref<1x4x1x32x128xf32, #tpu.memory_space<hbm>>
      %dma_start3A_398 = tpu.memref_squeeze %dma_start3A_397 : memref<1x4x1x32x128xf32, #tpu.memory_space<hbm>> -> memref<4x32x128xf32, #tpu.memory_space<hbm>>
      tpu.enqueue_dma source(%dma_start3A_398 : memref<4x32x128xf32, #tpu.memory_space<hbm>>) target(%dma_start3A_393 : memref<4x32x128xf32, #tpu.memory_space<vmem>>) target_semaphore(%arg15 : memref<!tpu.dma_semaphore, #tpu.memory_space<semaphore_mem>>)
      %dma_wait3A_399 = arith.constant 0 : i32
      %dma_wait3A_400 = arith.constant 0 : i32
      %dma_wait3A_401 = arith.constant 0 : i32
      %dma_wait3A_402 = arith.constant 0 : i32
      %dma_wait3A_403 = arith.constant 0 : i32
      %dma_wait3A_404 = arith.constant 0 : i32
      %dma_wait3A_405 = tpu.memref_slice %arg9[%dma_wait3A_401, %dma_wait3A_402, %dma_wait3A_403, %dma_wait3A_404] : memref<2x4x32x128xi32, #tpu.memory_space<vmem>> -> memref<1x4x32x128xi32, #tpu.memory_space<vmem>>
      %dma_wait3A_406 = tpu.memref_squeeze %dma_wait3A_405 : memref<1x4x32x128xi32, #tpu.memory_space<vmem>> -> memref<4x32x128xi32, #tpu.memory_space<vmem>>
      %dma_wait3A_407 = arith.constant 0 : i32
      %dma_wait3A_408 = arith.constant 0 : i32
      %dma_wait3A_409 = arith.constant 0 : i32
      %dma_wait3A_410 = tpu.memref_slice %arg2[%dma_wait3A_399, %dma_wait3A_407, %dma_wait3A_400, %dma_wait3A_408, %dma_wait3A_409] : memref<3x4x64x64x128xi32, #tpu.memory_space<hbm>> -> memref<1x4x1x32x128xi32, #tpu.memory_space<hbm>>
      %dma_wait3A_411 = tpu.memref_squeeze %dma_wait3A_410 : memref<1x4x1x32x128xi32, #tpu.memory_space<hbm>> -> memref<4x32x128xi32, #tpu.memory_space<hbm>>
      %dma_wait3A_412 = arith.constant 0 : i32
      %dma_wait3A_413 = arith.constant 0 : i32
      %dma_wait3A_414 = arith.constant 0 : i32
      %dma_wait3A_415 = tpu.memref_slice %arg9[%dma_wait3A_401, %dma_wait3A_412, %dma_wait3A_413, %dma_wait3A_414] : memref<2x4x32x128xi32, #tpu.memory_space<vmem>> -> memref<1x4x32x128xi32, #tpu.memory_space<vmem>>
      %dma_wait3A_416 = tpu.memref_squeeze %dma_wait3A_415 : memref<1x4x32x128xi32, #tpu.memory_space<vmem>> -> memref<4x32x128xi32, #tpu.memory_space<vmem>>
      %dma_wait3A_417 = arith.constant 0 : i32
      %dma_wait3A_418 = arith.constant 0 : i32
      %dma_wait3A_419 = arith.constant 0 : i32
      %dma_wait3A_420 = tpu.memref_slice %arg2[%dma_wait3A_399, %dma_wait3A_417, %dma_wait3A_400, %dma_wait3A_418, %dma_wait3A_419] : memref<3x4x64x64x128xi32, #tpu.memory_space<hbm>> -> memref<1x4x1x32x128xi32, #tpu.memory_space<hbm>>
      %dma_wait3A_421 = tpu.memref_squeeze %dma_wait3A_420 : memref<1x4x1x32x128xi32, #tpu.memory_space<hbm>> -> memref<4x32x128xi32, #tpu.memory_space<hbm>>
      tpu.wait_dma2 semaphore(%arg12 : memref<!tpu.dma_semaphore, #tpu.memory_space<semaphore_mem>>) src(%dma_wait3A_421 : memref<4x32x128xi32, #tpu.memory_space<hbm>>) dst(%dma_wait3A_416 : memref<4x32x128xi32, #tpu.memory_space<vmem>>)
      %dma_wait3A_422 = arith.constant 0 : i32
      %dma_wait3A_423 = arith.constant 0 : i32
      %dma_wait3A_424 = arith.constant 0 : i32
      %dma_wait3A_425 = arith.constant 0 : i32
      %dma_wait3A_426 = arith.constant 0 : i32
      %dma_wait3A_427 = arith.constant 0 : i32
      %dma_wait3A_428 = tpu.memref_slice %arg10[%dma_wait3A_424, %dma_wait3A_425, %dma_wait3A_426, %dma_wait3A_427] : memref<2x4x32x128xf32, #tpu.memory_space<vmem>> -> memref<1x4x32x128xf32, #tpu.memory_space<vmem>>
      %dma_wait3A_429 = tpu.memref_squeeze %dma_wait3A_428 : memref<1x4x32x128xf32, #tpu.memory_space<vmem>> -> memref<4x32x128xf32, #tpu.memory_space<vmem>>
      %dma_wait3A_430 = arith.constant 0 : i32
      %dma_wait3A_431 = arith.constant 0 : i32
      %dma_wait3A_432 = arith.constant 0 : i32
      %dma_wait3A_433 = tpu.memref_slice %arg3[%dma_wait3A_422, %dma_wait3A_430, %dma_wait3A_423, %dma_wait3A_431, %dma_wait3A_432] : memref<3x4x64x64x128xf32, #tpu.memory_space<hbm>> -> memref<1x4x1x32x128xf32, #tpu.memory_space<hbm>>
      %dma_wait3A_434 = tpu.memref_squeeze %dma_wait3A_433 : memref<1x4x1x32x128xf32, #tpu.memory_space<hbm>> -> memref<4x32x128xf32, #tpu.memory_space<hbm>>
      %dma_wait3A_435 = arith.constant 0 : i32
      %dma_wait3A_436 = arith.constant 0 : i32
      %dma_wait3A_437 = arith.constant 0 : i32
      %dma_wait3A_438 = tpu.memref_slice %arg10[%dma_wait3A_424, %dma_wait3A_435, %dma_wait3A_436, %dma_wait3A_437] : memref<2x4x32x128xf32, #tpu.memory_space<vmem>> -> memref<1x4x32x128xf32, #tpu.memory_space<vmem>>
      %dma_wait3A_439 = tpu.memref_squeeze %dma_wait3A_438 : memref<1x4x32x128xf32, #tpu.memory_space<vmem>> -> memref<4x32x128xf32, #tpu.memory_space<vmem>>
      %dma_wait3A_440 = arith.constant 0 : i32
      %dma_wait3A_441 = arith.constant 0 : i32
      %dma_wait3A_442 = arith.constant 0 : i32
      %dma_wait3A_443 = tpu.memref_slice %arg3[%dma_wait3A_422, %dma_wait3A_440, %dma_wait3A_423, %dma_wait3A_441, %dma_wait3A_442] : memref<3x4x64x64x128xf32, #tpu.memory_space<hbm>> -> memref<1x4x1x32x128xf32, #tpu.memory_space<hbm>>
      %dma_wait3A_444 = tpu.memref_squeeze %dma_wait3A_443 : memref<1x4x1x32x128xf32, #tpu.memory_space<hbm>> -> memref<4x32x128xf32, #tpu.memory_space<hbm>>
      tpu.wait_dma2 semaphore(%arg14 : memref<!tpu.dma_semaphore, #tpu.memory_space<semaphore_mem>>) src(%dma_wait3A_444 : memref<4x32x128xf32, #tpu.memory_space<hbm>>) dst(%dma_wait3A_439 : memref<4x32x128xf32, #tpu.memory_space<vmem>>)
      %dma_wait3A_445 = arith.constant 0 : i32
      %dma_wait3A_446 = arith.constant 0 : i32
      %dma_wait3A_447 = arith.constant 0 : i32
      %dma_wait3A_448 = arith.constant 0 : i32
      %dma_wait3A_449 = arith.constant 0 : i32
      %dma_wait3A_450 = tpu.memref_slice %arg11[%dma_wait3A_445, %dma_wait3A_448, %dma_wait3A_449] : memref<2x32x128xf32, #tpu.memory_space<vmem>> -> memref<1x32x128xf32, #tpu.memory_space<vmem>>
      %dma_wait3A_451 = tpu.memref_squeeze %dma_wait3A_450 : memref<1x32x128xf32, #tpu.memory_space<vmem>> -> memref<32x128xf32, #tpu.memory_space<vmem>>
      %dma_wait3A_452 = arith.constant 0 : i32
      %dma_wait3A_453 = arith.constant 0 : i32
      %dma_wait3A_454 = tpu.memref_slice %arg6[%dma_wait3A_446, %dma_wait3A_447, %dma_wait3A_452, %dma_wait3A_453] : memref<3x64x64x128xf32, #tpu.memory_space<hbm>> -> memref<1x1x32x128xf32, #tpu.memory_space<hbm>>
      %dma_wait3A_455 = tpu.memref_squeeze %dma_wait3A_454 : memref<1x1x32x128xf32, #tpu.memory_space<hbm>> -> memref<32x128xf32, #tpu.memory_space<hbm>>
      %dma_wait3A_456 = arith.constant 0 : i32
      %dma_wait3A_457 = arith.constant 0 : i32
      %dma_wait3A_458 = tpu.memref_slice %arg6[%dma_wait3A_446, %dma_wait3A_447, %dma_wait3A_456, %dma_wait3A_457] : memref<3x64x64x128xf32, #tpu.memory_space<hbm>> -> memref<1x1x32x128xf32, #tpu.memory_space<hbm>>
      %dma_wait3A_459 = tpu.memref_squeeze %dma_wait3A_458 : memref<1x1x32x128xf32, #tpu.memory_space<hbm>> -> memref<32x128xf32, #tpu.memory_space<hbm>>
      %dma_wait3A_460 = arith.constant 0 : i32
      %dma_wait3A_461 = arith.constant 0 : i32
      %dma_wait3A_462 = tpu.memref_slice %arg11[%dma_wait3A_445, %dma_wait3A_460, %dma_wait3A_461] : memref<2x32x128xf32, #tpu.memory_space<vmem>> -> memref<1x32x128xf32, #tpu.memory_space<vmem>>
      %dma_wait3A_463 = tpu.memref_squeeze %dma_wait3A_462 : memref<1x32x128xf32, #tpu.memory_space<vmem>> -> memref<32x128xf32, #tpu.memory_space<vmem>>
      tpu.wait_dma2 semaphore(%arg16 : memref<!tpu.dma_semaphore, #tpu.memory_space<semaphore_mem>>) src(%dma_wait3A_463 : memref<32x128xf32, #tpu.memory_space<vmem>>) dst(%dma_wait3A_459 : memref<32x128xf32, #tpu.memory_space<hbm>>)
      %broadcast_in_dim3A_464 = vector.broadcast %select_n3A_356 : i32 to vector<16xi32>
      %mul3A_465 = arith.constant 16 : i32
      %mul3A_466 = arith.muli %select_n3A_356, %mul3A_465 : i32
      %get3A_467 = arith.index_cast %mul3A_466 : i32 to index
      %get3A_468 = tpu.vector_load %arg8[%get3A_467] {strides = array<i32>} : memref<32xf32, #tpu.memory_space<vmem>>, vector<16xf32>,
      %parallel_loop3A_469 = arith.constant 0 : i32
      %parallel_loop3A_470 = arith.constant 256 : i32
      %parallel_loop3A_471 = arith.constant 1 : i32
      scf.for %parallel_loop3A_581 = %parallel_loop3A_469 to %parallel_loop3A_470 step %parallel_loop3A_471  : i32 {
        %parallel_loop3A_582 = arith.constant 3 : i32
        %parallel_loop3A_583 = arith.shrsi %parallel_loop3A_581, %parallel_loop3A_582 : i32
        %parallel_loop3A_584 = arith.constant 7 : i32
        %parallel_loop3A_585 = arith.andi %parallel_loop3A_581, %parallel_loop3A_584 : i32
        %parallel_loop3A_586 = arith.constant 16 : i32
        %parallel_loop3A_587 = arith.muli %parallel_loop3A_585, %parallel_loop3A_586 : i32
        %parallel_loop3A_588 = arith.constant 0 : i32
        %parallel_loop3A_589 = arith.constant 0 : i32
        %parallel_loop3A_590 = arith.index_cast %parallel_loop3A_588 : i32 to index
        %parallel_loop3A_591 = arith.index_cast %parallel_loop3A_589 : i32 to index
        %parallel_loop3A_592 = arith.index_cast %parallel_loop3A_583 : i32 to index
        %parallel_loop3A_593 = arith.index_cast %parallel_loop3A_587 : i32 to index
        %parallel_loop3A_594 = tpu.vector_load %arg9[%parallel_loop3A_590, %parallel_loop3A_591, %parallel_loop3A_592, %parallel_loop3A_593] {strides = array<i32>} : memref<2x4x32x128xi32, #tpu.memory_space<vmem>>, vector<16xi32>,
        %parallel_loop3A_595 = tpu.vector_load_idx %arg7[%broadcast_in_dim3A_464, %parallel_loop3A_594] : memref<2x352xf32, #tpu.memory_space<vmem>>[vector<16xi32>, vector<16xi32>], vector<16xf32>,
        %parallel_loop3A_596 = arith.constant 0 : i32
        %parallel_loop3A_597 = arith.constant 0 : i32
        %parallel_loop3A_598 = arith.index_cast %parallel_loop3A_596 : i32 to index
        %parallel_loop3A_599 = arith.index_cast %parallel_loop3A_597 : i32 to index
        %parallel_loop3A_600 = arith.index_cast %parallel_loop3A_583 : i32 to index
        %parallel_loop3A_601 = arith.index_cast %parallel_loop3A_587 : i32 to index
        %parallel_loop3A_602 = tpu.vector_load %arg10[%parallel_loop3A_598, %parallel_loop3A_599, %parallel_loop3A_600, %parallel_loop3A_601] {strides = array<i32>} : memref<2x4x32x128xf32, #tpu.memory_space<vmem>>, vector<16xf32>,
        %parallel_loop3A_603 = arith.mulf %parallel_loop3A_595, %parallel_loop3A_602 : vector<16xf32>
        %parallel_loop3A_604 = arith.constant 0 : i32
        %parallel_loop3A_605 = arith.constant 1 : i32
        %parallel_loop3A_606 = arith.index_cast %parallel_loop3A_604 : i32 to index
        %parallel_loop3A_607 = arith.index_cast %parallel_loop3A_605 : i32 to index
        %parallel_loop3A_608 = arith.index_cast %parallel_loop3A_583 : i32 to index
        %parallel_loop3A_609 = arith.index_cast %parallel_loop3A_587 : i32 to index
        %parallel_loop3A_610 = tpu.vector_load %arg9[%parallel_loop3A_606, %parallel_loop3A_607, %parallel_loop3A_608, %parallel_loop3A_609] {strides = array<i32>} : memref<2x4x32x128xi32, #tpu.memory_space<vmem>>, vector<16xi32>,
        %parallel_loop3A_611 = tpu.vector_load_idx %arg7[%broadcast_in_dim3A_464, %parallel_loop3A_610] : memref<2x352xf32, #tpu.memory_space<vmem>>[vector<16xi32>, vector<16xi32>], vector<16xf32>,
        %parallel_loop3A_612 = arith.constant 0 : i32
        %parallel_loop3A_613 = arith.constant 1 : i32
        %parallel_loop3A_614 = arith.index_cast %parallel_loop3A_612 : i32 to index
        %parallel_loop3A_615 = arith.index_cast %parallel_loop3A_613 : i32 to index
        %parallel_loop3A_616 = arith.index_cast %parallel_loop3A_583 : i32 to index
        %parallel_loop3A_617 = arith.index_cast %parallel_loop3A_587 : i32 to index
        %parallel_loop3A_618 = tpu.vector_load %arg10[%parallel_loop3A_614, %parallel_loop3A_615, %parallel_loop3A_616, %parallel_loop3A_617] {strides = array<i32>} : memref<2x4x32x128xf32, #tpu.memory_space<vmem>>, vector<16xf32>,
        %parallel_loop3A_619 = arith.mulf %parallel_loop3A_611, %parallel_loop3A_618 : vector<16xf32>
        %parallel_loop3A_620 = arith.maximumf %parallel_loop3A_603, %parallel_loop3A_619 : vector<16xf32>
        %parallel_loop3A_621 = arith.constant 0 : i32
        %parallel_loop3A_622 = arith.constant 2 : i32
        %parallel_loop3A_623 = arith.index_cast %parallel_loop3A_621 : i32 to index
        %parallel_loop3A_624 = arith.index_cast %parallel_loop3A_622 : i32 to index
        %parallel_loop3A_625 = arith.index_cast %parallel_loop3A_583 : i32 to index
        %parallel_loop3A_626 = arith.index_cast %parallel_loop3A_587 : i32 to index
        %parallel_loop3A_627 = tpu.vector_load %arg9[%parallel_loop3A_623, %parallel_loop3A_624, %parallel_loop3A_625, %parallel_loop3A_626] {strides = array<i32>} : memref<2x4x32x128xi32, #tpu.memory_space<vmem>>, vector<16xi32>,
        %parallel_loop3A_628 = tpu.vector_load_idx %arg7[%broadcast_in_dim3A_464, %parallel_loop3A_627] : memref<2x352xf32, #tpu.memory_space<vmem>>[vector<16xi32>, vector<16xi32>], vector<16xf32>,
        %parallel_loop3A_629 = arith.constant 0 : i32
        %parallel_loop3A_630 = arith.constant 2 : i32
        %parallel_loop3A_631 = arith.index_cast %parallel_loop3A_629 : i32 to index
        %parallel_loop3A_632 = arith.index_cast %parallel_loop3A_630 : i32 to index
        %parallel_loop3A_633 = arith.index_cast %parallel_loop3A_583 : i32 to index
        %parallel_loop3A_634 = arith.index_cast %parallel_loop3A_587 : i32 to index
        %parallel_loop3A_635 = tpu.vector_load %arg10[%parallel_loop3A_631, %parallel_loop3A_632, %parallel_loop3A_633, %parallel_loop3A_634] {strides = array<i32>} : memref<2x4x32x128xf32, #tpu.memory_space<vmem>>, vector<16xf32>,
        %parallel_loop3A_636 = arith.mulf %parallel_loop3A_628, %parallel_loop3A_635 : vector<16xf32>
        %parallel_loop3A_637 = arith.maximumf %parallel_loop3A_620, %parallel_loop3A_636 : vector<16xf32>
        %parallel_loop3A_638 = arith.constant 0 : i32
        %parallel_loop3A_639 = arith.constant 3 : i32
        %parallel_loop3A_640 = arith.index_cast %parallel_loop3A_638 : i32 to index
        %parallel_loop3A_641 = arith.index_cast %parallel_loop3A_639 : i32 to index
        %parallel_loop3A_642 = arith.index_cast %parallel_loop3A_583 : i32 to index
        %parallel_loop3A_643 = arith.index_cast %parallel_loop3A_587 : i32 to index
        %parallel_loop3A_644 = tpu.vector_load %arg9[%parallel_loop3A_640, %parallel_loop3A_641, %parallel_loop3A_642, %parallel_loop3A_643] {strides = array<i32>} : memref<2x4x32x128xi32, #tpu.memory_space<vmem>>, vector<16xi32>,
        %parallel_loop3A_645 = tpu.vector_load_idx %arg7[%broadcast_in_dim3A_464, %parallel_loop3A_644] : memref<2x352xf32, #tpu.memory_space<vmem>>[vector<16xi32>, vector<16xi32>], vector<16xf32>,
        %parallel_loop3A_646 = arith.constant 0 : i32
        %parallel_loop3A_647 = arith.constant 3 : i32
        %parallel_loop3A_648 = arith.index_cast %parallel_loop3A_646 : i32 to index
        %parallel_loop3A_649 = arith.index_cast %parallel_loop3A_647 : i32 to index
        %parallel_loop3A_650 = arith.index_cast %parallel_loop3A_583 : i32 to index
        %parallel_loop3A_651 = arith.index_cast %parallel_loop3A_587 : i32 to index
        %parallel_loop3A_652 = tpu.vector_load %arg10[%parallel_loop3A_648, %parallel_loop3A_649, %parallel_loop3A_650, %parallel_loop3A_651] {strides = array<i32>} : memref<2x4x32x128xf32, #tpu.memory_space<vmem>>, vector<16xf32>,
        %parallel_loop3A_653 = arith.mulf %parallel_loop3A_645, %parallel_loop3A_652 : vector<16xf32>
        %parallel_loop3A_654 = arith.maximumf %parallel_loop3A_637, %parallel_loop3A_653 : vector<16xf32>
        %parallel_loop3A_655 = arith.mulf %parallel_loop3A_654, %get3A_468 : vector<16xf32>
        %parallel_loop3A_656 = arith.constant 0 : i32
        %parallel_loop3A_657 = arith.index_cast %parallel_loop3A_656 : i32 to index
        %parallel_loop3A_658 = arith.index_cast %parallel_loop3A_583 : i32 to index
        %parallel_loop3A_659 = arith.index_cast %parallel_loop3A_587 : i32 to index
        %parallel_loop3A_660 = tpu.vector_load %arg11[%parallel_loop3A_657, %parallel_loop3A_658, %parallel_loop3A_659] {strides = array<i32>} : memref<2x32x128xf32, #tpu.memory_space<vmem>>, vector<16xf32>,
        tpu.vector_store %arg11[%parallel_loop3A_657, %parallel_loop3A_658, %parallel_loop3A_659], %parallel_loop3A_655 {strides = array<i32>} : memref<2x32x128xf32, #tpu.memory_space<vmem>>, vector<16xf32>,
      } {sc.loop_unroll_factor = 4 : i64, sc.parallel_access}
      %dma_start3A_472 = arith.constant 0 : i32
      %dma_start3A_473 = arith.constant 0 : i32
      %dma_start3A_474 = arith.constant 0 : i32
      %dma_start3A_475 = tpu.memref_slice %arg11[%dma_start3A_472, %dma_start3A_473, %dma_start3A_474] : memref<2x32x128xf32, #tpu.memory_space<vmem>> -> memref<1x32x128xf32, #tpu.memory_space<vmem>>
      %dma_start3A_476 = tpu.memref_squeeze %dma_start3A_475 : memref<1x32x128xf32, #tpu.memory_space<vmem>> -> memref<32x128xf32, #tpu.memory_space<vmem>>
      %dma_start3A_477 = arith.constant 0 : i32
      %dma_start3A_478 = arith.constant 0 : i32
      %dma_start3A_479 = tpu.memref_slice %arg6[%shift_right_logical3A_343, %and3A_345, %dma_start3A_477, %dma_start3A_478] : memref<3x64x64x128xf32, #tpu.memory_space<hbm>> -> memref<1x1x32x128xf32, #tpu.memory_space<hbm>>
      %dma_start3A_480 = tpu.memref_squeeze %dma_start3A_479 : memref<1x1x32x128xf32, #tpu.memory_space<hbm>> -> memref<32x128xf32, #tpu.memory_space<hbm>>
      %dma_start3A_481 = arith.constant 0 : i32
      %dma_start3A_482 = arith.constant 0 : i32
      %dma_start3A_483 = tpu.memref_slice %arg6[%shift_right_logical3A_343, %and3A_345, %dma_start3A_481, %dma_start3A_482] : memref<3x64x64x128xf32, #tpu.memory_space<hbm>> -> memref<1x1x32x128xf32, #tpu.memory_space<hbm>>
      %dma_start3A_484 = tpu.memref_squeeze %dma_start3A_483 : memref<1x1x32x128xf32, #tpu.memory_space<hbm>> -> memref<32x128xf32, #tpu.memory_space<hbm>>
      %dma_start3A_485 = arith.constant 0 : i32
      %dma_start3A_486 = arith.constant 0 : i32
      %dma_start3A_487 = tpu.memref_slice %arg11[%dma_start3A_472, %dma_start3A_485, %dma_start3A_486] : memref<2x32x128xf32, #tpu.memory_space<vmem>> -> memref<1x32x128xf32, #tpu.memory_space<vmem>>
      %dma_start3A_488 = tpu.memref_squeeze %dma_start3A_487 : memref<1x32x128xf32, #tpu.memory_space<vmem>> -> memref<32x128xf32, #tpu.memory_space<vmem>>
      tpu.enqueue_dma source(%dma_start3A_488 : memref<32x128xf32, #tpu.memory_space<vmem>>) target(%dma_start3A_484 : memref<32x128xf32, #tpu.memory_space<hbm>>) target_semaphore(%arg16 : memref<!tpu.dma_semaphore, #tpu.memory_space<semaphore_mem>>)
      %lt3A = arith.constant 5 : i32
      %lt3A_489 = arith.cmpi slt, %scan3A_338, %lt3A : i32
      %convert_element_type3A = arith.extui %lt3A_489 : i1 to i32
      %cond3A = arith.constant 0 : i32
      %cond3A_490 = arith.cmpi ne, %convert_element_type3A, %cond3A : i32
      scf.if %cond3A_490 {
        %mul3A_581 = arith.constant 6 : i32
        %mul3A_582 = arith.muli %add3A, %mul3A_581 : i32
        %add3A_583 = arith.addi %mul3A_582, %scan3A_338 : i32
        %add3A_584 = arith.constant 1 : i32
        %add3A_585 = arith.addi %add3A_583, %add3A_584 : i32
        %shift_right_logical3A_586 = arith.constant 6 : i32
        %shift_right_logical3A_587 = arith.shrui %add3A_585, %shift_right_logical3A_586 : i32
        %and3A_588 = arith.constant 63 : i32
        %and3A_589 = arith.andi %add3A_585, %and3A_588 : i32
        %eq3A_590 = arith.constant 2 : i32
        %eq3A_591 = arith.cmpi eq, %shift_right_logical3A_587, %eq3A_590 : i32
        %add3A_592 = arith.constant 1 : i32
        %add3A_593 = arith.addi %shift_right_logical3A_587, %add3A_592 : i32
        %jit3A_594 = arith.constant 0 : i32
        %select_n3A_595 = arith.select %eq3A_591, %jit3A_594, %add3A_593 : i32
        %eq3A_596 = arith.constant 1 : i32
        %eq3A_597 = arith.cmpi eq, %shift_right_logical3A_587, %eq3A_596 : i32
        %jit3A_598 = arith.constant 1 : i32
        %jit3A_599 = arith.constant 0 : i32
        %select_n3A_600 = arith.select %eq3A_597, %jit3A_598, %jit3A_599 : i32
        %dma_start3A_601 = arith.constant 0 : i32
        %dma_start3A_602 = arith.constant 0 : i32
        %dma_start3A_603 = arith.constant 0 : i32
        %dma_start3A_604 = arith.constant 0 : i32
        %dma_start3A_605 = tpu.memref_slice %arg9[%dma_start3A_601, %dma_start3A_602, %dma_start3A_603, %dma_start3A_604] : memref<2x4x32x128xi32, #tpu.memory_space<vmem>> -> memref<1x4x32x128xi32, #tpu.memory_space<vmem>>
        %dma_start3A_606 = tpu.memref_squeeze %dma_start3A_605 : memref<1x4x32x128xi32, #tpu.memory_space<vmem>> -> memref<4x32x128xi32, #tpu.memory_space<vmem>>
        %dma_start3A_607 = arith.constant 0 : i32
        %dma_start3A_608 = arith.constant 0 : i32
        %dma_start3A_609 = arith.constant 0 : i32
        %dma_start3A_610 = tpu.memref_slice %arg2[%select_n3A_595, %dma_start3A_607, %and3A_589, %dma_start3A_608, %dma_start3A_609] : memref<3x4x64x64x128xi32, #tpu.memory_space<hbm>> -> memref<1x4x1x32x128xi32, #tpu.memory_space<hbm>>
        %dma_start3A_611 = tpu.memref_squeeze %dma_start3A_610 : memref<1x4x1x32x128xi32, #tpu.memory_space<hbm>> -> memref<4x32x128xi32, #tpu.memory_space<hbm>>
        %dma_start3A_612 = arith.constant 0 : i32
        %dma_start3A_613 = arith.constant 0 : i32
        %dma_start3A_614 = arith.constant 0 : i32
        %dma_start3A_615 = tpu.memref_slice %arg9[%dma_start3A_601, %dma_start3A_612, %dma_start3A_613, %dma_start3A_614] : memref<2x4x32x128xi32, #tpu.memory_space<vmem>> -> memref<1x4x32x128xi32, #tpu.memory_space<vmem>>
        %dma_start3A_616 = tpu.memref_squeeze %dma_start3A_615 : memref<1x4x32x128xi32, #tpu.memory_space<vmem>> -> memref<4x32x128xi32, #tpu.memory_space<vmem>>
        %dma_start3A_617 = arith.constant 0 : i32
        %dma_start3A_618 = arith.constant 0 : i32
        %dma_start3A_619 = arith.constant 0 : i32
        %dma_start3A_620 = tpu.memref_slice %arg2[%select_n3A_595, %dma_start3A_617, %and3A_589, %dma_start3A_618, %dma_start3A_619] : memref<3x4x64x64x128xi32, #tpu.memory_space<hbm>> -> memref<1x4x1x32x128xi32, #tpu.memory_space<hbm>>
        %dma_start3A_621 = tpu.memref_squeeze %dma_start3A_620 : memref<1x4x1x32x128xi32, #tpu.memory_space<hbm>> -> memref<4x32x128xi32, #tpu.memory_space<hbm>>
        tpu.enqueue_dma source(%dma_start3A_621 : memref<4x32x128xi32, #tpu.memory_space<hbm>>) target(%dma_start3A_616 : memref<4x32x128xi32, #tpu.memory_space<vmem>>) target_semaphore(%arg12 : memref<!tpu.dma_semaphore, #tpu.memory_space<semaphore_mem>>)
        %dma_start3A_622 = arith.constant 0 : i32
        %dma_start3A_623 = arith.constant 0 : i32
        %dma_start3A_624 = arith.constant 0 : i32
        %dma_start3A_625 = arith.constant 0 : i32
        %dma_start3A_626 = tpu.memref_slice %arg10[%dma_start3A_622, %dma_start3A_623, %dma_start3A_624, %dma_start3A_625] : memref<2x4x32x128xf32, #tpu.memory_space<vmem>> -> memref<1x4x32x128xf32, #tpu.memory_space<vmem>>
        %dma_start3A_627 = tpu.memref_squeeze %dma_start3A_626 : memref<1x4x32x128xf32, #tpu.memory_space<vmem>> -> memref<4x32x128xf32, #tpu.memory_space<vmem>>
        %dma_start3A_628 = arith.constant 0 : i32
        %dma_start3A_629 = arith.constant 0 : i32
        %dma_start3A_630 = arith.constant 0 : i32
        %dma_start3A_631 = tpu.memref_slice %arg3[%select_n3A_595, %dma_start3A_628, %and3A_589, %dma_start3A_629, %dma_start3A_630] : memref<3x4x64x64x128xf32, #tpu.memory_space<hbm>> -> memref<1x4x1x32x128xf32, #tpu.memory_space<hbm>>
        %dma_start3A_632 = tpu.memref_squeeze %dma_start3A_631 : memref<1x4x1x32x128xf32, #tpu.memory_space<hbm>> -> memref<4x32x128xf32, #tpu.memory_space<hbm>>
        %dma_start3A_633 = arith.constant 0 : i32
        %dma_start3A_634 = arith.constant 0 : i32
        %dma_start3A_635 = arith.constant 0 : i32
        %dma_start3A_636 = tpu.memref_slice %arg10[%dma_start3A_622, %dma_start3A_633, %dma_start3A_634, %dma_start3A_635] : memref<2x4x32x128xf32, #tpu.memory_space<vmem>> -> memref<1x4x32x128xf32, #tpu.memory_space<vmem>>
        %dma_start3A_637 = tpu.memref_squeeze %dma_start3A_636 : memref<1x4x32x128xf32, #tpu.memory_space<vmem>> -> memref<4x32x128xf32, #tpu.memory_space<vmem>>
        %dma_start3A_638 = arith.constant 0 : i32
        %dma_start3A_639 = arith.constant 0 : i32
        %dma_start3A_640 = arith.constant 0 : i32
        %dma_start3A_641 = tpu.memref_slice %arg3[%select_n3A_595, %dma_start3A_638, %and3A_589, %dma_start3A_639, %dma_start3A_640] : memref<3x4x64x64x128xf32, #tpu.memory_space<hbm>> -> memref<1x4x1x32x128xf32, #tpu.memory_space<hbm>>
        %dma_start3A_642 = tpu.memref_squeeze %dma_start3A_641 : memref<1x4x1x32x128xf32, #tpu.memory_space<hbm>> -> memref<4x32x128xf32, #tpu.memory_space<hbm>>
        tpu.enqueue_dma source(%dma_start3A_642 : memref<4x32x128xf32, #tpu.memory_space<hbm>>) target(%dma_start3A_637 : memref<4x32x128xf32, #tpu.memory_space<vmem>>) target_semaphore(%arg14 : memref<!tpu.dma_semaphore, #tpu.memory_space<semaphore_mem>>)
      } else {
      }
      %dma_wait3A_491 = arith.constant 0 : i32
      %dma_wait3A_492 = arith.constant 0 : i32
      %dma_wait3A_493 = arith.constant 1 : i32
      %dma_wait3A_494 = arith.constant 0 : i32
      %dma_wait3A_495 = arith.constant 0 : i32
      %dma_wait3A_496 = arith.constant 0 : i32
      %dma_wait3A_497 = tpu.memref_slice %arg9[%dma_wait3A_493, %dma_wait3A_494, %dma_wait3A_495, %dma_wait3A_496] : memref<2x4x32x128xi32, #tpu.memory_space<vmem>> -> memref<1x4x32x128xi32, #tpu.memory_space<vmem>>
      %dma_wait3A_498 = tpu.memref_squeeze %dma_wait3A_497 : memref<1x4x32x128xi32, #tpu.memory_space<vmem>> -> memref<4x32x128xi32, #tpu.memory_space<vmem>>
      %dma_wait3A_499 = arith.constant 0 : i32
      %dma_wait3A_500 = arith.constant 0 : i32
      %dma_wait3A_501 = arith.constant 0 : i32
      %dma_wait3A_502 = tpu.memref_slice %arg2[%dma_wait3A_491, %dma_wait3A_499, %dma_wait3A_492, %dma_wait3A_500, %dma_wait3A_501] : memref<3x4x64x64x128xi32, #tpu.memory_space<hbm>> -> memref<1x4x1x32x128xi32, #tpu.memory_space<hbm>>
      %dma_wait3A_503 = tpu.memref_squeeze %dma_wait3A_502 : memref<1x4x1x32x128xi32, #tpu.memory_space<hbm>> -> memref<4x32x128xi32, #tpu.memory_space<hbm>>
      %dma_wait3A_504 = arith.constant 0 : i32
      %dma_wait3A_505 = arith.constant 0 : i32
      %dma_wait3A_506 = arith.constant 0 : i32
      %dma_wait3A_507 = tpu.memref_slice %arg9[%dma_wait3A_493, %dma_wait3A_504, %dma_wait3A_505, %dma_wait3A_506] : memref<2x4x32x128xi32, #tpu.memory_space<vmem>> -> memref<1x4x32x128xi32, #tpu.memory_space<vmem>>
      %dma_wait3A_508 = tpu.memref_squeeze %dma_wait3A_507 : memref<1x4x32x128xi32, #tpu.memory_space<vmem>> -> memref<4x32x128xi32, #tpu.memory_space<vmem>>
      %dma_wait3A_509 = arith.constant 0 : i32
      %dma_wait3A_510 = arith.constant 0 : i32
      %dma_wait3A_511 = arith.constant 0 : i32
      %dma_wait3A_512 = tpu.memref_slice %arg2[%dma_wait3A_491, %dma_wait3A_509, %dma_wait3A_492, %dma_wait3A_510, %dma_wait3A_511] : memref<3x4x64x64x128xi32, #tpu.memory_space<hbm>> -> memref<1x4x1x32x128xi32, #tpu.memory_space<hbm>>
      %dma_wait3A_513 = tpu.memref_squeeze %dma_wait3A_512 : memref<1x4x1x32x128xi32, #tpu.memory_space<hbm>> -> memref<4x32x128xi32, #tpu.memory_space<hbm>>
      tpu.wait_dma2 semaphore(%arg13 : memref<!tpu.dma_semaphore, #tpu.memory_space<semaphore_mem>>) src(%dma_wait3A_513 : memref<4x32x128xi32, #tpu.memory_space<hbm>>) dst(%dma_wait3A_508 : memref<4x32x128xi32, #tpu.memory_space<vmem>>)
      %dma_wait3A_514 = arith.constant 0 : i32
      %dma_wait3A_515 = arith.constant 0 : i32
      %dma_wait3A_516 = arith.constant 1 : i32
      %dma_wait3A_517 = arith.constant 0 : i32
      %dma_wait3A_518 = arith.constant 0 : i32
      %dma_wait3A_519 = arith.constant 0 : i32
      %dma_wait3A_520 = tpu.memref_slice %arg10[%dma_wait3A_516, %dma_wait3A_517, %dma_wait3A_518, %dma_wait3A_519] : memref<2x4x32x128xf32, #tpu.memory_space<vmem>> -> memref<1x4x32x128xf32, #tpu.memory_space<vmem>>
      %dma_wait3A_521 = tpu.memref_squeeze %dma_wait3A_520 : memref<1x4x32x128xf32, #tpu.memory_space<vmem>> -> memref<4x32x128xf32, #tpu.memory_space<vmem>>
      %dma_wait3A_522 = arith.constant 0 : i32
      %dma_wait3A_523 = arith.constant 0 : i32
      %dma_wait3A_524 = arith.constant 0 : i32
      %dma_wait3A_525 = tpu.memref_slice %arg3[%dma_wait3A_514, %dma_wait3A_522, %dma_wait3A_515, %dma_wait3A_523, %dma_wait3A_524] : memref<3x4x64x64x128xf32, #tpu.memory_space<hbm>> -> memref<1x4x1x32x128xf32, #tpu.memory_space<hbm>>
      %dma_wait3A_526 = tpu.memref_squeeze %dma_wait3A_525 : memref<1x4x1x32x128xf32, #tpu.memory_space<hbm>> -> memref<4x32x128xf32, #tpu.memory_space<hbm>>
      %dma_wait3A_527 = arith.constant 0 : i32
      %dma_wait3A_528 = arith.constant 0 : i32
      %dma_wait3A_529 = arith.constant 0 : i32
      %dma_wait3A_530 = tpu.memref_slice %arg10[%dma_wait3A_516, %dma_wait3A_527, %dma_wait3A_528, %dma_wait3A_529] : memref<2x4x32x128xf32, #tpu.memory_space<vmem>> -> memref<1x4x32x128xf32, #tpu.memory_space<vmem>>
      %dma_wait3A_531 = tpu.memref_squeeze %dma_wait3A_530 : memref<1x4x32x128xf32, #tpu.memory_space<vmem>> -> memref<4x32x128xf32, #tpu.memory_space<vmem>>
      %dma_wait3A_532 = arith.constant 0 : i32
      %dma_wait3A_533 = arith.constant 0 : i32
      %dma_wait3A_534 = arith.constant 0 : i32
      %dma_wait3A_535 = tpu.memref_slice %arg3[%dma_wait3A_514, %dma_wait3A_532, %dma_wait3A_515, %dma_wait3A_533, %dma_wait3A_534] : memref<3x4x64x64x128xf32, #tpu.memory_space<hbm>> -> memref<1x4x1x32x128xf32, #tpu.memory_space<hbm>>
      %dma_wait3A_536 = tpu.memref_squeeze %dma_wait3A_535 : memref<1x4x1x32x128xf32, #tpu.memory_space<hbm>> -> memref<4x32x128xf32, #tpu.memory_space<hbm>>
      tpu.wait_dma2 semaphore(%arg15 : memref<!tpu.dma_semaphore, #tpu.memory_space<semaphore_mem>>) src(%dma_wait3A_536 : memref<4x32x128xf32, #tpu.memory_space<hbm>>) dst(%dma_wait3A_531 : memref<4x32x128xf32, #tpu.memory_space<vmem>>)
      %dma_wait3A_537 = arith.constant 1 : i32
      %dma_wait3A_538 = arith.constant 0 : i32
      %dma_wait3A_539 = arith.constant 0 : i32
      %dma_wait3A_540 = arith.constant 0 : i32
      %dma_wait3A_541 = arith.constant 0 : i32
      %dma_wait3A_542 = tpu.memref_slice %arg11[%dma_wait3A_537, %dma_wait3A_540, %dma_wait3A_541] : memref<2x32x128xf32, #tpu.memory_space<vmem>> -> memref<1x32x128xf32, #tpu.memory_space<vmem>>
      %dma_wait3A_543 = tpu.memref_squeeze %dma_wait3A_542 : memref<1x32x128xf32, #tpu.memory_space<vmem>> -> memref<32x128xf32, #tpu.memory_space<vmem>>
      %dma_wait3A_544 = arith.constant 0 : i32
      %dma_wait3A_545 = arith.constant 0 : i32
      %dma_wait3A_546 = tpu.memref_slice %arg6[%dma_wait3A_538, %dma_wait3A_539, %dma_wait3A_544, %dma_wait3A_545] : memref<3x64x64x128xf32, #tpu.memory_space<hbm>> -> memref<1x1x32x128xf32, #tpu.memory_space<hbm>>
      %dma_wait3A_547 = tpu.memref_squeeze %dma_wait3A_546 : memref<1x1x32x128xf32, #tpu.memory_space<hbm>> -> memref<32x128xf32, #tpu.memory_space<hbm>>
      %dma_wait3A_548 = arith.constant 0 : i32
      %dma_wait3A_549 = arith.constant 0 : i32
      %dma_wait3A_550 = tpu.memref_slice %arg6[%dma_wait3A_538, %dma_wait3A_539, %dma_wait3A_548, %dma_wait3A_549] : memref<3x64x64x128xf32, #tpu.memory_space<hbm>> -> memref<1x1x32x128xf32, #tpu.memory_space<hbm>>
      %dma_wait3A_551 = tpu.memref_squeeze %dma_wait3A_550 : memref<1x1x32x128xf32, #tpu.memory_space<hbm>> -> memref<32x128xf32, #tpu.memory_space<hbm>>
      %dma_wait3A_552 = arith.constant 0 : i32
      %dma_wait3A_553 = arith.constant 0 : i32
      %dma_wait3A_554 = tpu.memref_slice %arg11[%dma_wait3A_537, %dma_wait3A_552, %dma_wait3A_553] : memref<2x32x128xf32, #tpu.memory_space<vmem>> -> memref<1x32x128xf32, #tpu.memory_space<vmem>>
      %dma_wait3A_555 = tpu.memref_squeeze %dma_wait3A_554 : memref<1x32x128xf32, #tpu.memory_space<vmem>> -> memref<32x128xf32, #tpu.memory_space<vmem>>
      tpu.wait_dma2 semaphore(%arg17 : memref<!tpu.dma_semaphore, #tpu.memory_space<semaphore_mem>>) src(%dma_wait3A_555 : memref<32x128xf32, #tpu.memory_space<vmem>>) dst(%dma_wait3A_551 : memref<32x128xf32, #tpu.memory_space<hbm>>)
      %broadcast_in_dim3A_556 = vector.broadcast %select_n3A_356 : i32 to vector<16xi32>
      %mul3A_557 = arith.constant 16 : i32
      %mul3A_558 = arith.muli %select_n3A_356, %mul3A_557 : i32
      %get3A_559 = arith.index_cast %mul3A_558 : i32 to index
      %get3A_560 = tpu.vector_load %arg8[%get3A_559] {strides = array<i32>} : memref<32xf32, #tpu.memory_space<vmem>>, vector<16xf32>,
      %parallel_loop3A_561 = arith.constant 0 : i32
      %parallel_loop3A_562 = arith.constant 256 : i32
      %parallel_loop3A_563 = arith.constant 1 : i32
      scf.for %parallel_loop3A_581 = %parallel_loop3A_561 to %parallel_loop3A_562 step %parallel_loop3A_563  : i32 {
        %parallel_loop3A_582 = arith.constant 3 : i32
        %parallel_loop3A_583 = arith.shrsi %parallel_loop3A_581, %parallel_loop3A_582 : i32
        %parallel_loop3A_584 = arith.constant 7 : i32
        %parallel_loop3A_585 = arith.andi %parallel_loop3A_581, %parallel_loop3A_584 : i32
        %parallel_loop3A_586 = arith.constant 16 : i32
        %parallel_loop3A_587 = arith.muli %parallel_loop3A_585, %parallel_loop3A_586 : i32
        %parallel_loop3A_588 = arith.constant 1 : i32
        %parallel_loop3A_589 = arith.constant 0 : i32
        %parallel_loop3A_590 = arith.index_cast %parallel_loop3A_588 : i32 to index
        %parallel_loop3A_591 = arith.index_cast %parallel_loop3A_589 : i32 to index
        %parallel_loop3A_592 = arith.index_cast %parallel_loop3A_583 : i32 to index
        %parallel_loop3A_593 = arith.index_cast %parallel_loop3A_587 : i32 to index
        %parallel_loop3A_594 = tpu.vector_load %arg9[%parallel_loop3A_590, %parallel_loop3A_591, %parallel_loop3A_592, %parallel_loop3A_593] {strides = array<i32>} : memref<2x4x32x128xi32, #tpu.memory_space<vmem>>, vector<16xi32>,
        %parallel_loop3A_595 = tpu.vector_load_idx %arg7[%broadcast_in_dim3A_556, %parallel_loop3A_594] : memref<2x352xf32, #tpu.memory_space<vmem>>[vector<16xi32>, vector<16xi32>], vector<16xf32>,
        %parallel_loop3A_596 = arith.constant 1 : i32
        %parallel_loop3A_597 = arith.constant 0 : i32
        %parallel_loop3A_598 = arith.index_cast %parallel_loop3A_596 : i32 to index
        %parallel_loop3A_599 = arith.index_cast %parallel_loop3A_597 : i32 to index
        %parallel_loop3A_600 = arith.index_cast %parallel_loop3A_583 : i32 to index
        %parallel_loop3A_601 = arith.index_cast %parallel_loop3A_587 : i32 to index
        %parallel_loop3A_602 = tpu.vector_load %arg10[%parallel_loop3A_598, %parallel_loop3A_599, %parallel_loop3A_600, %parallel_loop3A_601] {strides = array<i32>} : memref<2x4x32x128xf32, #tpu.memory_space<vmem>>, vector<16xf32>,
        %parallel_loop3A_603 = arith.mulf %parallel_loop3A_595, %parallel_loop3A_602 : vector<16xf32>
        %parallel_loop3A_604 = arith.constant 1 : i32
        %parallel_loop3A_605 = arith.constant 1 : i32
        %parallel_loop3A_606 = arith.index_cast %parallel_loop3A_604 : i32 to index
        %parallel_loop3A_607 = arith.index_cast %parallel_loop3A_605 : i32 to index
        %parallel_loop3A_608 = arith.index_cast %parallel_loop3A_583 : i32 to index
        %parallel_loop3A_609 = arith.index_cast %parallel_loop3A_587 : i32 to index
        %parallel_loop3A_610 = tpu.vector_load %arg9[%parallel_loop3A_606, %parallel_loop3A_607, %parallel_loop3A_608, %parallel_loop3A_609] {strides = array<i32>} : memref<2x4x32x128xi32, #tpu.memory_space<vmem>>, vector<16xi32>,
        %parallel_loop3A_611 = tpu.vector_load_idx %arg7[%broadcast_in_dim3A_556, %parallel_loop3A_610] : memref<2x352xf32, #tpu.memory_space<vmem>>[vector<16xi32>, vector<16xi32>], vector<16xf32>,
        %parallel_loop3A_612 = arith.constant 1 : i32
        %parallel_loop3A_613 = arith.constant 1 : i32
        %parallel_loop3A_614 = arith.index_cast %parallel_loop3A_612 : i32 to index
        %parallel_loop3A_615 = arith.index_cast %parallel_loop3A_613 : i32 to index
        %parallel_loop3A_616 = arith.index_cast %parallel_loop3A_583 : i32 to index
        %parallel_loop3A_617 = arith.index_cast %parallel_loop3A_587 : i32 to index
        %parallel_loop3A_618 = tpu.vector_load %arg10[%parallel_loop3A_614, %parallel_loop3A_615, %parallel_loop3A_616, %parallel_loop3A_617] {strides = array<i32>} : memref<2x4x32x128xf32, #tpu.memory_space<vmem>>, vector<16xf32>,
        %parallel_loop3A_619 = arith.mulf %parallel_loop3A_611, %parallel_loop3A_618 : vector<16xf32>
        %parallel_loop3A_620 = arith.maximumf %parallel_loop3A_603, %parallel_loop3A_619 : vector<16xf32>
        %parallel_loop3A_621 = arith.constant 1 : i32
        %parallel_loop3A_622 = arith.constant 2 : i32
        %parallel_loop3A_623 = arith.index_cast %parallel_loop3A_621 : i32 to index
        %parallel_loop3A_624 = arith.index_cast %parallel_loop3A_622 : i32 to index
        %parallel_loop3A_625 = arith.index_cast %parallel_loop3A_583 : i32 to index
        %parallel_loop3A_626 = arith.index_cast %parallel_loop3A_587 : i32 to index
        %parallel_loop3A_627 = tpu.vector_load %arg9[%parallel_loop3A_623, %parallel_loop3A_624, %parallel_loop3A_625, %parallel_loop3A_626] {strides = array<i32>} : memref<2x4x32x128xi32, #tpu.memory_space<vmem>>, vector<16xi32>,
        %parallel_loop3A_628 = tpu.vector_load_idx %arg7[%broadcast_in_dim3A_556, %parallel_loop3A_627] : memref<2x352xf32, #tpu.memory_space<vmem>>[vector<16xi32>, vector<16xi32>], vector<16xf32>,
        %parallel_loop3A_629 = arith.constant 1 : i32
        %parallel_loop3A_630 = arith.constant 2 : i32
        %parallel_loop3A_631 = arith.index_cast %parallel_loop3A_629 : i32 to index
        %parallel_loop3A_632 = arith.index_cast %parallel_loop3A_630 : i32 to index
        %parallel_loop3A_633 = arith.index_cast %parallel_loop3A_583 : i32 to index
        %parallel_loop3A_634 = arith.index_cast %parallel_loop3A_587 : i32 to index
        %parallel_loop3A_635 = tpu.vector_load %arg10[%parallel_loop3A_631, %parallel_loop3A_632, %parallel_loop3A_633, %parallel_loop3A_634] {strides = array<i32>} : memref<2x4x32x128xf32, #tpu.memory_space<vmem>>, vector<16xf32>,
        %parallel_loop3A_636 = arith.mulf %parallel_loop3A_628, %parallel_loop3A_635 : vector<16xf32>
        %parallel_loop3A_637 = arith.maximumf %parallel_loop3A_620, %parallel_loop3A_636 : vector<16xf32>
        %parallel_loop3A_638 = arith.constant 1 : i32
        %parallel_loop3A_639 = arith.constant 3 : i32
        %parallel_loop3A_640 = arith.index_cast %parallel_loop3A_638 : i32 to index
        %parallel_loop3A_641 = arith.index_cast %parallel_loop3A_639 : i32 to index
        %parallel_loop3A_642 = arith.index_cast %parallel_loop3A_583 : i32 to index
        %parallel_loop3A_643 = arith.index_cast %parallel_loop3A_587 : i32 to index
        %parallel_loop3A_644 = tpu.vector_load %arg9[%parallel_loop3A_640, %parallel_loop3A_641, %parallel_loop3A_642, %parallel_loop3A_643] {strides = array<i32>} : memref<2x4x32x128xi32, #tpu.memory_space<vmem>>, vector<16xi32>,
        %parallel_loop3A_645 = tpu.vector_load_idx %arg7[%broadcast_in_dim3A_556, %parallel_loop3A_644] : memref<2x352xf32, #tpu.memory_space<vmem>>[vector<16xi32>, vector<16xi32>], vector<16xf32>,
        %parallel_loop3A_646 = arith.constant 1 : i32
        %parallel_loop3A_647 = arith.constant 3 : i32
        %parallel_loop3A_648 = arith.index_cast %parallel_loop3A_646 : i32 to index
        %parallel_loop3A_649 = arith.index_cast %parallel_loop3A_647 : i32 to index
        %parallel_loop3A_650 = arith.index_cast %parallel_loop3A_583 : i32 to index
        %parallel_loop3A_651 = arith.index_cast %parallel_loop3A_587 : i32 to index
        %parallel_loop3A_652 = tpu.vector_load %arg10[%parallel_loop3A_648, %parallel_loop3A_649, %parallel_loop3A_650, %parallel_loop3A_651] {strides = array<i32>} : memref<2x4x32x128xf32, #tpu.memory_space<vmem>>, vector<16xf32>,
        %parallel_loop3A_653 = arith.mulf %parallel_loop3A_645, %parallel_loop3A_652 : vector<16xf32>
        %parallel_loop3A_654 = arith.maximumf %parallel_loop3A_637, %parallel_loop3A_653 : vector<16xf32>
        %parallel_loop3A_655 = arith.mulf %parallel_loop3A_654, %get3A_560 : vector<16xf32>
        %parallel_loop3A_656 = arith.constant 1 : i32
        %parallel_loop3A_657 = arith.index_cast %parallel_loop3A_656 : i32 to index
        %parallel_loop3A_658 = arith.index_cast %parallel_loop3A_583 : i32 to index
        %parallel_loop3A_659 = arith.index_cast %parallel_loop3A_587 : i32 to index
        %parallel_loop3A_660 = tpu.vector_load %arg11[%parallel_loop3A_657, %parallel_loop3A_658, %parallel_loop3A_659] {strides = array<i32>} : memref<2x32x128xf32, #tpu.memory_space<vmem>>, vector<16xf32>,
        tpu.vector_store %arg11[%parallel_loop3A_657, %parallel_loop3A_658, %parallel_loop3A_659], %parallel_loop3A_655 {strides = array<i32>} : memref<2x32x128xf32, #tpu.memory_space<vmem>>, vector<16xf32>,
      } {sc.loop_unroll_factor = 4 : i64, sc.parallel_access}
      %dma_start3A_564 = arith.constant 1 : i32
      %dma_start3A_565 = arith.constant 0 : i32
      %dma_start3A_566 = arith.constant 0 : i32
      %dma_start3A_567 = tpu.memref_slice %arg11[%dma_start3A_564, %dma_start3A_565, %dma_start3A_566] : memref<2x32x128xf32, #tpu.memory_space<vmem>> -> memref<1x32x128xf32, #tpu.memory_space<vmem>>
      %dma_start3A_568 = tpu.memref_squeeze %dma_start3A_567 : memref<1x32x128xf32, #tpu.memory_space<vmem>> -> memref<32x128xf32, #tpu.memory_space<vmem>>
      %dma_start3A_569 = arith.constant 32 : i32
      %dma_start3A_570 = arith.constant 0 : i32
      %dma_start3A_571 = tpu.memref_slice %arg6[%shift_right_logical3A_343, %and3A_345, %dma_start3A_569, %dma_start3A_570] : memref<3x64x64x128xf32, #tpu.memory_space<hbm>> -> memref<1x1x32x128xf32, #tpu.memory_space<hbm>>
      %dma_start3A_572 = tpu.memref_squeeze %dma_start3A_571 : memref<1x1x32x128xf32, #tpu.memory_space<hbm>> -> memref<32x128xf32, #tpu.memory_space<hbm>>
      %dma_start3A_573 = arith.constant 32 : i32
      %dma_start3A_574 = arith.constant 0 : i32
      %dma_start3A_575 = tpu.memref_slice %arg6[%shift_right_logical3A_343, %and3A_345, %dma_start3A_573, %dma_start3A_574] : memref<3x64x64x128xf32, #tpu.memory_space<hbm>> -> memref<1x1x32x128xf32, #tpu.memory_space<hbm>>
      %dma_start3A_576 = tpu.memref_squeeze %dma_start3A_575 : memref<1x1x32x128xf32, #tpu.memory_space<hbm>> -> memref<32x128xf32, #tpu.memory_space<hbm>>
      %dma_start3A_577 = arith.constant 0 : i32
      %dma_start3A_578 = arith.constant 0 : i32
      %dma_start3A_579 = tpu.memref_slice %arg11[%dma_start3A_564, %dma_start3A_577, %dma_start3A_578] : memref<2x32x128xf32, #tpu.memory_space<vmem>> -> memref<1x32x128xf32, #tpu.memory_space<vmem>>
      %dma_start3A_580 = tpu.memref_squeeze %dma_start3A_579 : memref<1x32x128xf32, #tpu.memory_space<vmem>> -> memref<32x128xf32, #tpu.memory_space<vmem>>
      tpu.enqueue_dma source(%dma_start3A_580 : memref<32x128xf32, #tpu.memory_space<vmem>>) target(%dma_start3A_576 : memref<32x128xf32, #tpu.memory_space<hbm>>) target_semaphore(%arg17 : memref<!tpu.dma_semaphore, #tpu.memory_space<semaphore_mem>>)
    }
    %scan3A_299 = arith.constant 5 : i32
    %dma_wait3A_300 = arith.constant 0 : i32
    %dma_wait3A_301 = arith.constant 0 : i32
    %dma_wait3A_302 = arith.constant 0 : i32
    %dma_wait3A_303 = arith.constant 0 : i32
    %dma_wait3A_304 = arith.constant 0 : i32
    %dma_wait3A_305 = tpu.memref_slice %arg11[%dma_wait3A_300, %dma_wait3A_303, %dma_wait3A_304] : memref<2x32x128xf32, #tpu.memory_space<vmem>> -> memref<1x32x128xf32, #tpu.memory_space<vmem>>
    %dma_wait3A_306 = tpu.memref_squeeze %dma_wait3A_305 : memref<1x32x128xf32, #tpu.memory_space<vmem>> -> memref<32x128xf32, #tpu.memory_space<vmem>>
    %dma_wait3A_307 = arith.constant 0 : i32
    %dma_wait3A_308 = arith.constant 0 : i32
    %dma_wait3A_309 = tpu.memref_slice %arg6[%dma_wait3A_301, %dma_wait3A_302, %dma_wait3A_307, %dma_wait3A_308] : memref<3x64x64x128xf32, #tpu.memory_space<hbm>> -> memref<1x1x32x128xf32, #tpu.memory_space<hbm>>
    %dma_wait3A_310 = tpu.memref_squeeze %dma_wait3A_309 : memref<1x1x32x128xf32, #tpu.memory_space<hbm>> -> memref<32x128xf32, #tpu.memory_space<hbm>>
    %dma_wait3A_311 = arith.constant 0 : i32
    %dma_wait3A_312 = arith.constant 0 : i32
    %dma_wait3A_313 = tpu.memref_slice %arg6[%dma_wait3A_301, %dma_wait3A_302, %dma_wait3A_311, %dma_wait3A_312] : memref<3x64x64x128xf32, #tpu.memory_space<hbm>> -> memref<1x1x32x128xf32, #tpu.memory_space<hbm>>
    %dma_wait3A_314 = tpu.memref_squeeze %dma_wait3A_313 : memref<1x1x32x128xf32, #tpu.memory_space<hbm>> -> memref<32x128xf32, #tpu.memory_space<hbm>>
    %dma_wait3A_315 = arith.constant 0 : i32
    %dma_wait3A_316 = arith.constant 0 : i32
    %dma_wait3A_317 = tpu.memref_slice %arg11[%dma_wait3A_300, %dma_wait3A_315, %dma_wait3A_316] : memref<2x32x128xf32, #tpu.memory_space<vmem>> -> memref<1x32x128xf32, #tpu.memory_space<vmem>>
    %dma_wait3A_318 = tpu.memref_squeeze %dma_wait3A_317 : memref<1x32x128xf32, #tpu.memory_space<vmem>> -> memref<32x128xf32, #tpu.memory_space<vmem>>
    tpu.wait_dma2 semaphore(%arg16 : memref<!tpu.dma_semaphore, #tpu.memory_space<semaphore_mem>>) src(%dma_wait3A_318 : memref<32x128xf32, #tpu.memory_space<vmem>>) dst(%dma_wait3A_314 : memref<32x128xf32, #tpu.memory_space<hbm>>)
    %dma_wait3A_319 = arith.constant 1 : i32
    %dma_wait3A_320 = arith.constant 0 : i32
    %dma_wait3A_321 = arith.constant 0 : i32
    %dma_wait3A_322 = arith.constant 0 : i32
    %dma_wait3A_323 = arith.constant 0 : i32
    %dma_wait3A_324 = tpu.memref_slice %arg11[%dma_wait3A_319, %dma_wait3A_322, %dma_wait3A_323] : memref<2x32x128xf32, #tpu.memory_space<vmem>> -> memref<1x32x128xf32, #tpu.memory_space<vmem>>
    %dma_wait3A_325 = tpu.memref_squeeze %dma_wait3A_324 : memref<1x32x128xf32, #tpu.memory_space<vmem>> -> memref<32x128xf32, #tpu.memory_space<vmem>>
    %dma_wait3A_326 = arith.constant 0 : i32
    %dma_wait3A_327 = arith.constant 0 : i32
    %dma_wait3A_328 = tpu.memref_slice %arg6[%dma_wait3A_320, %dma_wait3A_321, %dma_wait3A_326, %dma_wait3A_327] : memref<3x64x64x128xf32, #tpu.memory_space<hbm>> -> memref<1x1x32x128xf32, #tpu.memory_space<hbm>>
    %dma_wait3A_329 = tpu.memref_squeeze %dma_wait3A_328 : memref<1x1x32x128xf32, #tpu.memory_space<hbm>> -> memref<32x128xf32, #tpu.memory_space<hbm>>
    %dma_wait3A_330 = arith.constant 0 : i32
    %dma_wait3A_331 = arith.constant 0 : i32
    %dma_wait3A_332 = tpu.memref_slice %arg6[%dma_wait3A_320, %dma_wait3A_321, %dma_wait3A_330, %dma_wait3A_331] : memref<3x64x64x128xf32, #tpu.memory_space<hbm>> -> memref<1x1x32x128xf32, #tpu.memory_space<hbm>>
    %dma_wait3A_333 = tpu.memref_squeeze %dma_wait3A_332 : memref<1x1x32x128xf32, #tpu.memory_space<hbm>> -> memref<32x128xf32, #tpu.memory_space<hbm>>
    %dma_wait3A_334 = arith.constant 0 : i32
    %dma_wait3A_335 = arith.constant 0 : i32
    %dma_wait3A_336 = tpu.memref_slice %arg11[%dma_wait3A_319, %dma_wait3A_334, %dma_wait3A_335] : memref<2x32x128xf32, #tpu.memory_space<vmem>> -> memref<1x32x128xf32, #tpu.memory_space<vmem>>
    %dma_wait3A_337 = tpu.memref_squeeze %dma_wait3A_336 : memref<1x32x128xf32, #tpu.memory_space<vmem>> -> memref<32x128xf32, #tpu.memory_space<vmem>>
    tpu.wait_dma2 semaphore(%arg17 : memref<!tpu.dma_semaphore, #tpu.memory_space<semaphore_mem>>) src(%dma_wait3A_337 : memref<32x128xf32, #tpu.memory_space<vmem>>) dst(%dma_wait3A_333 : memref<32x128xf32, #tpu.memory_space<hbm>>)
    return
  }
}

</mosaic_0001>

<sc_bundles>
// kernel: kernel.3.cloned.1.call-start
scs
__scs_entry_jumppad:
0x0: {  	(pc) =	sbr.rel $0x88, $3  }
0x1: {  	(tag) =	ssettag $0x0;
	lr =	simm.s32 $0x1  }
0x2: {  	[smem:$0x3F9B] =	sst lr;
	_ =	strace $0xD0000000  }
0x3: {  	_ = 	snop  }
0x4: {  	_ = 	snop  }
0x5: {  	_ = 	snop  }
0x6: {  	_ = 	snop  }
0x7: {  	_ = 	snop  }
__scs_overlays_trampoline_lowered:
0x8: {  	[smem:$0x3FAA] =	sst s0  }
0x9: {  	[smem:$0x3FAB] =	sst s1  }
0xa: {  	[smem:$0x3FAC] =	sst s2  }
0xb: {  	[smem:$0x3FAD] =	sst s3  }
0xc: {  	[smem:$0x3FAE] =	sst s4  }
0xd: {  	[smem:$0x3FAF] =	sst s5  }
0xe: {  	[smem:$0x3FB0] =	sst s6  }
0xf: {  	[smem:$0x3FB1] =	sst s7  }
0x10: {  	[smem:$0x3FB2] =	sst s8  }
0x11: {  	[smem:$0x3FB3] =	sst s9;
	s0 =	simm.s32 @!p0 $0x0  }
0x12: {  	s1 =	sld [smem:$0x3F99];
	s0 =	simm.s32 @p0 $0x1  }
0x13: {  	[smem:$0x3FB4] =	sst s0;
	s0 =	simm.s32 @!p1 $0x0  }
0x14: {  	s2 =	sld [smem:$0x3F98];
	s0 =	simm.s32 @p1 $0x1  }
0x15: {  	[smem:$0x3FB5] =	sst s0;
	s0 =	simm.s32 @!p2 $0x0  }
0x16: {  	s3 =	sld [smem:$0x3FDB];
	s0 =	simm.s32 @p2 $0x1  }
0x17: {  	s4 =	simm.s32 $0x1BF5;
	[smem:$0x3FB7] =	sst s0  }
0x18: {  	s0 =	sld [smem:$0x3F9A];
	_ =	swait.ge [sflag:s4], $0x0  }
0x19: {  	s7 =	sld [smem:$0x3F9B]  }
0x1a: {  	s8 =	sadd.s32 $0xFFFFE003, lr  }
0x1b: {  	s9 =	sadd.s32 $0xFFFFFEF7, lr;
	s5 =	simm.s32 $0xFFFFFFFF;
	p2 =	slt.u32 s8, $0xFFFFF086  }
0x1c: {  	p1 =	slt.u32 s9, $0xF7A;
	s5 =	simm.s32 @!p2 $0x0  }
0x1d: {  	s5 =	simm.s32 @p1 $0x1;
	p0 =	seq.s32 s7, s2  }
0x1e: {  	s7 =	smul.u32 @!p0 $0xF7A, s2;
	p2 =	seq.s32 @!p0 s5, $0x0  }
0x1f: {  	s9 =	smul.u32 $0xF7A, s1;
	s8 =	simm.s32 @!p0 $0x1BF5;
	p2 =	por !p2, p0  }
0x20: {  	[sflag:s8] =	ssyncset.s32 @!p0 $0xFFFFF086;
	s6 =	sadd.s32 @!p0 s3, s7;
	s7 =	simm.s32 @!p0 $0x108  }
0x21: {  	s3 =	sadd.s32 s3, s9;
	s6 =	sadd.s32 @!p0 $0x88, s6;
	s7 =	simm.s32 @p2 $0x1082  }
0x22: {  	[simem:s7], [sflag:s8] =	dma.local @!p0 [hbm:s6], $0xF7A  }
0x23: {  	s9 =	sor.u32 $0xD0000000, s2;
	s6 =	simm.s32 $0x108;
	_ =	swait.ge @!p0 [sflag:s8], $0x0  }
0x24: {  	s3 =	sadd.s32 $0x88, s3;
	s6 =	simm.s32 @!p1 $0x1082;
	[sflag:s4] =	ssyncset.s32 $0xFFFFF086  }
0x25: {  	[simem:s6], [sflag:s4] =	dma.local [hbm:s3], $0xF7A  }
0x26: {  	[smem:$0x3F9B] =	sst s1;
	(tag) =	ssettag s2;
	_ =	strace s9  }
0x27: {  	s1 =	sld [smem:$0x3FAB]  }
0x28: {  	s2 =	sld [smem:$0x3FAC]  }
0x29: {  	s4 =	sld [smem:$0x3FAE]  }
0x2a: {  	p0 =	seq.s32 s5, $0x0;
	s5 =	sld [smem:$0x3FAF]  }
0x2b: {  	s6 =	sld [smem:$0x3FB0]  }
0x2c: {  	s7 =	sld [smem:$0x3FB1]  }
0x2d: {  	s3 =	simm.s32 $0x108;
	s8 =	sld [smem:$0x3FB2]  }
0x2e: {  	s3 =	simm.s32 @!p0 $0x1082;
	s9 =	sld [smem:$0x3FB3]  }
0x2f: {  	lr =	sadd.s32 s0, s3;
	s0 =	sld [smem:$0x3FAA]  }
0x30: {  	s3 =	sld [smem:$0x3FAD]  }
0x31: {  	[smem:$0x3FB6] =	sst s10  }
0x32: {  	s10 =	sld [smem:$0x3FB4];
	_ =	sdelay $0x3  }
0x33: {  	p0 =	seq.s32 s10, $0x1;
	s10 =	sld [smem:$0x3FB6];
	_ =	sdelay $0x3  }
0x34: {  	[smem:$0x3FB6] =	sst s10  }
0x35: {  	s10 =	sld [smem:$0x3FB5];
	_ =	sdelay $0x3  }
0x36: {  	p1 =	seq.s32 s10, $0x1;
	s10 =	sld [smem:$0x3FB6];
	_ =	sdelay $0x3  }
0x37: {  	[smem:$0x3FB6] =	sst s10  }
0x38: {  	s10 =	sld [smem:$0x3FB7]  }
0x39: {  	_ = 	snop;
	(pc) =	sbr.ind lr, $3  }
0x3a: {  	_ = 	snop  }
0x3b: {  	_ = 	snop  }
0x3c: {  	p2 =	seq.s32 s10, $0x1;
	s10 =	sld [smem:$0x3FB6]  }
0x3d: {  	_ =	shalt  }
0x3e: {  	_ =	shalt  }
0x3f: {  	_ =	shalt  }
0x40: {  	_ =	shalt  }
0x41: {  	_ =	shalt  }
0x42: {  	_ =	shalt  }
0x43: {  	_ =	shalt  }
0x44: {  	_ =	shalt  }
0x45: {  	_ =	shalt  }
0x46: {  	_ =	shalt  }
0x47: {  	_ =	shalt  }
0x48: {  	_ =	shalt  }
0x49: {  	_ =	shalt  }
0x4a: {  	_ =	shalt  }
0x4b: {  	_ =	shalt  }
0x4c: {  	_ =	shalt  }
0x4d: {  	_ =	shalt  }
0x4e: {  	_ =	shalt  }
0x4f: {  	_ =	shalt  }
0x50: {  	_ =	shalt  }
0x51: {  	_ =	shalt  }
0x52: {  	_ =	shalt  }
0x53: {  	_ =	shalt  }
0x54: {  	_ =	shalt  }
0x55: {  	_ =	shalt  }
0x56: {  	_ =	shalt  }
0x57: {  	_ =	shalt  }
0x58: {  	_ =	shalt  }
0x59: {  	_ =	shalt  }
0x5a: {  	_ =	shalt  }
0x5b: {  	_ =	shalt  }
0x5c: {  	_ =	shalt  }
0x5d: {  	_ =	shalt  }
0x5e: {  	_ =	shalt  }
0x5f: {  	_ =	shalt  }
0x60: {  	_ =	shalt  }
0x61: {  	_ =	shalt  }
0x62: {  	_ =	shalt  }
0x63: {  	_ =	shalt  }
0x64: {  	_ =	shalt  }
0x65: {  	_ =	shalt  }
0x66: {  	_ =	shalt  }
0x67: {  	_ =	shalt  }
0x68: {  	_ =	shalt  }
0x69: {  	_ =	shalt  }
0x6a: {  	_ =	shalt  }
0x6b: {  	_ =	shalt  }
0x6c: {  	_ =	shalt  }
0x6d: {  	_ =	shalt  }
0x6e: {  	_ =	shalt  }
0x6f: {  	_ =	shalt  }
0x70: {  	_ =	shalt  }
0x71: {  	_ =	shalt  }
0x72: {  	_ =	shalt  }
0x73: {  	_ =	shalt  }
0x74: {  	_ =	shalt  }
0x75: {  	_ =	shalt  }
0x76: {  	_ =	shalt  }
0x77: {  	_ =	shalt  }
0x78: {  	_ =	shalt  }
0x79: {  	_ =	shalt  }
0x7a: {  	_ =	shalt  }
0x7b: {  	_ =	shalt  }
0x7c: {  	_ =	shalt  }
0x7d: {  	_ =	shalt  }
0x7e: {  	_ =	shalt  }
0x7f: {  	_ =	shalt  }
0x80: {  	_ =	shalt  }
0x81: {  	_ =	shalt  }
0x82: {  	_ =	shalt  }
0x83: {  	_ =	shalt  }
0x84: {  	_ =	shalt  }
0x85: {  	_ =	shalt  }
0x86: {  	_ =	shalt  }
0x87: {  	_ =	shalt  }
.Lfunc_end0:
.L_simem_size_0:
called_computation_lowered:
.L_overlay_start_0:
0x88: {  	s2 =	sld [smem:$0x3FD9]  }
0x89: {  	s3 =	sld [smem:$0x3FFE];
	_ =	sdelay $0x1  }
0x8a: {  	s1 =	srdreg.scid  }
0x8b: {  	s0 =	sand.u32 $0x1, s1  }
0x8c: {  	s17 =	sshll.u32 s0, $0xA;
	s2 =	sadd.s32 s3, s2  }
0x8d: {  	s2 =	sadd.s32 s2, s17  }
0x8e: {  	[smem:$0x3FC2] =	sst s2  }
0x8f: {  	_ = 	snop  }
0x90: {  	s2 =	sld [smem:$0x3FC9]  }
0x91: {  	s18 =	sld [smem:$0x3FC8]  }
0x92: {  	s4 =	sld [smem:$0x3FD0];
	(tm) =	ssettm $0x1  }
0x93: {  	s5 =	sld [smem:$0x3FFB];
	_ =	sdelay $0x3  }
0x94: {  	_ =	strace s5  }
0x95: {  	s5 =	sld [smem:$0x3FFC];
	_ =	sdelay $0x3  }
0x96: {  	_ =	strace s5  }
0x97: {  	s5 =	sld [smem:$0x3FFD];
	_ =	sdelay $0x3  }
0x98: {  	_ =	strace s5  }
0x99: {  	_ =	strace $0x8FFFFFFF  }
0x9a: {  	s19 =	sld [smem:$0x3FDB];
	_ =	sdelay $0x1  }
0x9b: {  	s6 =	simm.s32 $_scs_section_size  }
0x9c: {  	s7 =	simm.s32 $_size__tile_overlayer_lowered;
	s8 =	simm.s32 $_tile_overlayer_lowered  }
0x9d: {  	s22 =	simm.s32 $0x1BFF;
	s21 =	sshll.u32 s8, $0x1;
	s5 =	sadd.s32 s6, s19  }
0x9e: {  	s9 =	simm.s32 $0x0;
	s20 =	sshll.u32 s7, $0x1;
	s7 =	sadd.s32 s21, s5  }
0x9f: {  	[timem:s9], [sflag:s22] =	dma.local [hbm:s7], s20  }
0xa0: {  	_ =	swait.ge [sflag:s22], s20  }
0xa1: {  	s6 =	ssub.s32 $0x0, s20;
	[sflag:s22] =	ssyncset.done $0x0  }
0xa2: {  	[sflag:s22] =	ssyncadd.s32 s6;
	_ =	sdelay $0x1  }
0xa3: {  	s23 =	simm.s32 $0x1B8B  }
0xa4: {  	_ =	swait.ge [sflag:s23], $0x1  }
0xa5: {  	[sflag:s23] =	ssyncset.done $0x0  }
0xa6: {  	s25 =	simm.s32 $0x1B8E;
	s24 =	sld [smem:$0x3FFE];
	[sflag:s23] =	ssyncadd.s32 $0xFFFFFFFF  }
0xa7: {  	s26 =	simm.s32 $execute0_lowered;
	[smem:$0x3FD2] =	sst s25  }
0xa8: {  	s7 =	sshll.u32 s26, $0x1;
	_ =	strace $0x80000046;
	[dreg:$0x1] =	wrdreg $0xFFFFFFFF  }
0xa9: {  	s28 =	simm.s32 $_size_execute0_lowered;
	s5 =	sadd.s32 s5, s7;
	[dreg:$0x0] =	wrdreg $0x0  }
0xaa: {  	s7 =	sshll.u32 s28, $0x1;
	[dreg:$0x2] =	wrdreg s5  }
0xab: {  	[dreg:$0x3] =	wrdreg s7  }
0xac: {  	[dreg:$0x4] =	wrdreg $0xC0  }
0xad: {  	_ =	task [dreg:s9], $0x5FFFF  }
0xae: {  	[dreg:$0x1] =	wrdreg $0xFFFFFFFF  }
0xaf: {  	[dreg:$0x0] =	wrdreg $0x60  }
0xb0: {  	[dreg:$0x2] =	wrdreg s2  }
0xb1: {  	[dreg:$0x3] =	wrdreg s18  }
0xb2: {  	[dreg:$0x4] =	wrdreg s24  }
0xb3: {  	[dreg:$0x5] =	wrdreg s4  }
0xb4: {  	[dreg:$0x6] =	wrdreg $0x9  }
0xb5: {  	_ =	task.clear_ibuf [dreg:s9], $0x7FFFF;
	_ =	strace $0x90000046  }
0xb6: {  	s29 =	simm.s32 $0x9;
	_ =	strace $0x80000048  }
0xb7: {  	_ =	swait.ge [sflag:s29], $0x1  }
0xb8: {  	[sflag:s29] =	ssyncadd.s32 $0xFFFFFFFF  }
0xb9: {  	_ =	strace $0x90000048  }
0xba: {  	_ =	sfence  }
0xbb: {  	s30 =	sld [smem:$0x0];
	_ =	sdelay $0x2  }
0xbc: {  	s31 =	sshll.u32 s1, $0xD;
	s1 =	sshrl.u32 s1, $0x2  }
0xbd: {  	s3 =	sand.u32 $0x4000, s31;
	s1 =	sadd.s32 s1, s30  }
0xbe: {  	s0 =	sor.u32 s3, s0;
	s1 =	sshll.u32 s1, $0x11  }
0xbf: {  	s0 =	sor.u32 s1, s0  }
0xc0: {  	s0 =	sadd.s32 $0x8F2B, s0  }
0xc1: {  	[sflag:s0] =	ssyncadd.remote.s32 $0x1  }
0xc2: {  	_ =	sfence.sel $0xFFFF  }
0xc3: {  	[dreg:$0x0] =	wrdreg $0xFFFFFFFF;
	(pc) =	sbr.abs _section_cstart, $3  }
0xc4: {  	[dreg:$0x1] =	wrdreg $0xFFFFFFFF  }
0xc5: {  	_ =	task.clear_ibuf [dreg:s9], $0x2FFFF;
	_ =	strace $0x9FFFFFFF  }
0xc6: {  	(tm) =	ssettm $0x7FFFFFFF  }
0xc7: {  	_ =	shalt  }
tec
execute0_lowered:
.L_overlay_start_1:
0x0: {  	(tag) =	ssettag $0x1  }
0x1: {  	s1 =	rddreg [dreg:$0x0]  }
0x2: {  	s2 =	rddreg [dreg:$0x1]  }
0x3: {  	s0 =	rddreg [dreg:$0x2];
	s3 =	srdreg.scid  }
0x4: {  	s4 =	stileid.u32;
	s12 =	rddreg [dreg:$0x3];
	s5 =	simm.s32 $0x0  }
0x5: {  	s10 =	simm.s32 $0x1;
	s14 =	simm.s32 $0x10;
	s16 =	simm.s32 $0x380  }
0x6: {  	s17 =	simm.s32 $0x8380;
	s30 =	simm.s32 $0x3;
	s3 =	sand.u32 $0x1, s3  }
0x7: {  	s6 =	sshll.u32 s4, $0x1;
	[smem:$0x7FF] =	sst s5;
	s19 =	sadd.s32 $0x400, s0  }
0x8: {  	s0 =	sadd.s32 $0x200, s0;
	s18 =	sadd.s32 $0x200, s12;
	s7 =	sor.u32 s3, s6  }
0x9: {  	_ =	strace $0x80000047;
	s3 =	ssub.s32 $0x2, s3;
	s6 =	smul.u32 $0x6, s7  }
0xa: {  	[dreg:$0x5] =	wrdreg s19;
	s7 =	smul.u32 $0xC000, s7;
	s9 =	sshrl.u32 s3, $0x1  }
0xb: {  	[dreg:$0x6] =	wrdreg s0;
	s3 =	ssub.s32 s3, s9;
	s9 =	simm.s32 $0x1  }
0xc: {  	s20 =	sshrl.u32 s6, $0x6;
	s7 =	sand.u32 $0x7C000, s7;
	s31 =	smax.u32 s3, $0x1  }
0xd: {  	s3 =	simm.s32 $0x2;
	s8 =	sshll.u32 s20, $0x15;
	s0 =	sshll.u32 s20, $0x13  }
0xe: {  	p0 =	seq.s32 s20, $0x2;
	s8 =	sadd.s32 $0x200000, s8;
	s0 =	sor.u32 s7, s0  }
0xf: {  	[dreg:$0x10] =	wrdreg s31;
	s8 =	simm.s32 @p0 $0x2;
	s0 =	sshrl.u32 s0, $0x3  }
0x10: {  	p0 =	seq.s32 s20, $0x1;
	s8 =	sor.u32 s7, s8;
	s25 =	sadd.s32 s12, s0  }
0x11: {  	s10 =	simm.s32 @!p0 $0x0;
	s0 =	sadd.s32 s0, s18;
	[dreg:$0xc] =	wrdreg s25  }
0x12: {  	s14 =	simm.s32 @!p0 $0x0;
	s8 =	sshrl.u32 s8, $0x3;
	[dreg:$0xf] =	wrdreg s0  }
0x13: {  	s7 =	simm.s32 $0x5;
	[dreg:$0xb] =	wrdreg s14;
	s21 =	sadd.s32 s1, s8  }
0x14: {  	s11 =	sor.u32 $0x200, s8;
	s22 =	sadd.s32 s2, s8;
	[dreg:$0x7] =	wrdreg s21  }
0x15: {  	s0 =	simm.s32 $0x4;
	[dreg:$0x8] =	wrdreg s22;
	s23 =	sadd.s32 s1, s11  }
0x16: {  	s26 =	sor.u32 $0x400, s8;
	s24 =	sadd.s32 s2, s11;
	[dreg:$0x9] =	wrdreg s23  }
0x17: {  	v0 =	vmov s10;
	s10 =	simm.s32 $0x0;
	s28 =	sadd.s32 s1, s26;
	[dreg:$0xa] =	wrdreg s24  }
0x18: {  	v0 =	vshll.u32 v0, $0x7;
	s8 =	simm.s32 $0x6;
	s29 =	sadd.s32 s2, s26;
	[dreg:$0xd] =	wrdreg s28  }
0x19: {  	s21 =	simm.s32 $0x1000;
	s22 =	simm.s32 $0x80000;
	v0 =	vbroadcast v0, $0x0;
	[dreg:$0xe] =	wrdreg s29  }
.LBB2_1:
0x1a: {  	[dreg:$0x11] =	wrdreg s10  }
0x1b: {  	s4 =	rddreg [dreg:$0x7]  }
0x1c: {  	[tilespmem:s16], [sflag:$0x1] =	stream.strided.gather [hbm4b:s4+s21], $0x4000, s22, s21, $0x38;
	[tilespmem:$0x12380] =	vst v63  }
0x1d: {  	s19 =	rddreg [dreg:$0x8]  }
0x1e: {  	[tilespmem:s17], [sflag:$0x3] =	stream.strided.gather [hbm4b:s19+s21], $0x4000, s22, s21, $0x38;
	[tilespmem:$0x12380] =	vst v63  }
0x1f: {  	s20 =	rddreg [dreg:$0x9];
	s23 =	simm.s32 $0x4380  }
0x20: {  	[tilespmem:s23], [sflag:$0x2] =	stream.strided.gather [hbm4b:s20+s21], $0x4000, s22, s21, $0x38;
	[tilespmem:$0x12380] =	vst v63  }
0x21: {  	s24 =	rddreg [dreg:$0xa];
	s25 =	simm.s32 $0xC380  }
0x22: {  	[tilespmem:s25], [sflag:$0x4] =	stream.strided.gather [hbm4b:s24+s21], $0x4000, s22, s21, $0x38;
	[tilespmem:$0x12380] =	vst v63  }
0x23: {  	s26 =	rddreg [dreg:$0x5];
	s28 =	simm.s32 $0x7  }
0x24: {  	[tilespmem:s5], [sflag:$0x7] =	stream.linear.gather [hbm4b:s26+s5], $0x300, $0x38;
	[tilespmem:$0x12380] =	vst v63  }
0x25: {  	_ =	swait.ge [sflag:s28], $0x300  }
0x26: {  	[sflag:s28] =	ssyncset.done $0x0  }
0x27: {  	s11 =	simm.s32 $0x300;
	s29 =	rddreg [dreg:$0x6];
	[sflag:s28] =	ssyncadd.s32 $0xFFFFFD00  }
0x28: {  	[tilespmem:s11], [sflag:$0x7] =	stream.linear.gather [hbm4b:s29+s5], $0x80, $0x38;
	[tilespmem:$0x12380] =	vst v63  }
0x29: {  	_ =	swait.ge [sflag:s28], $0x80  }
0x2a: {  	[sflag:s28] =	ssyncset.done $0x0  }
0x2b: {  	[sflag:s28] =	ssyncadd.s32 $0xFFFFFF80  }
0x2c: {  	_ =	swait.ge [sflag:s9], $0x4000  }
0x2d: {  	[sflag:s9] =	ssyncset.done $0x0  }
0x2e: {  	[sflag:s9] =	ssyncadd.s32 $0xFFFFC000  }
0x2f: {  	_ =	swait.ge [sflag:s30], $0x4000  }
0x30: {  	[sflag:s30] =	ssyncset.done $0x0  }
0x31: {  	[sflag:s30] =	ssyncadd.s32 $0xFFFFC000  }
0x32: {  	s31 =	simm.s32 $0x2380;
	v1 =	vld [tilespmem:s14+$0x300]  }
0x33: {  	v2 =	vld [tilespmem:s31+$0x1030]  }
0x34: {  	v3 =	vld [tilespmem:s31+$0x30]  }
0x35: {  	v4 =	vld [tilespmem:s31+$0xFFFFE030]  }
0x36: {  	v5 =	vld [tilespmem:s31+$0xFFFFF030]  }
0x37: {  	v6 =	vld [tilespmem:s31+$0xFFFFF000]  }
0x38: {  	v7 =	vld [tilespmem:s31+$0xFFFFE010]  }
0x39: {  	v8 =	vld [tilespmem:s31+$0xFFFFF010]  }
0x3a: {  	v11 =	vld [tilespmem:s31+$0xFFFFE020]  }
0x3b: {  	v15 =	vld [tilespmem:s31+$0xFFFFE000]  }
0x3c: {  	v13 =	vld [tilespmem:s31+$0xFFFFF020]  }
0x3d: {  	v46 =	vld [tilespmem:s31+$0x0];
	v9 =	vand.u32 $0x7F, v3;
	v10 =	vand.u32 $0x7F, v2;
	v12 =	vand.u32 $0x7F, v4  }
0x3e: {  	s10 =	simm.s32 $0xA380;
	v47 =	vld [tilespmem:s31+$0x10];
	v4 =	vshll.u32 v4, $0x1;
	v2 =	vshll.u32 v2, $0x1;
	v14 =	vand.u32 $0x7F, v5  }
0x3f: {  	v16 =	vld [tilespmem:s10+$0xFFFFF030];
	v5 =	vshll.u32 v5, $0x1;
	v3 =	vshll.u32 v3, $0x1;
	v17 =	vshll.u32 v6, $0x1  }
0x40: {  	v23 =	vld [tilespmem:s10+$0x1030];
	v18 =	vshll.u32 v7, $0x1;
	v19 =	vshll.u32 v8, $0x1;
	v20 =	vshll.u32 v15, $0x1  }
0x41: {  	v24 =	vld [tilespmem:s31+$0x20];
	v21 =	vshll.u32 v11, $0x1;
	v22 =	vshll.u32 v13, $0x1;
	v15 =	vand.u32 $0x7F, v15  }
0x42: {  	v25 =	vld [tilespmem:s31+$0x1000];
	v6 =	vand.u32 $0x7F, v6;
	v26 =	vshll.u32 v46, $0x1;
	v7 =	vand.u32 $0x7F, v7  }
0x43: {  	v48 =	vld [tilespmem:s31+$0x1010];
	v8 =	vand.u32 $0x7F, v8;
	v11 =	vand.u32 $0x7F, v11;
	v4 =	vand.u32 $0xFFFFFF00, v4  }
0x44: {  	v49 =	vld [tilespmem:s31+$0x1020];
	v13 =	vand.u32 $0x7F, v13;
	v5 =	vand.u32 $0xFFFFFF00, v5;
	v4 =	vor.u32 v4, v12  }
0x45: {  	v50 =	vld [tilespmem:s10+$0xFFFFE000];
	v52 =	vshll.u32 v47, $0x1;
	v5 =	vor.u32 v5, v14;
	v4 =	vor.u32 v0, v4  }
0x46: {  	v51 =	vld [tilespmem:s10+$0xFFFFF000];
	v3 =	vand.u32 $0xFFFFFF00, v3;
	v2 =	vand.u32 $0xFFFFFF00, v2;
	v5 =	vor.u32 v0, v5  }
0x47: {  	v53 =	vld [tilespmem:s10+$0xFFFFE010];
	v20 =	vand.u32 $0xFFFFFF00, v20;
	v17 =	vand.u32 $0xFFFFFF00, v17;
	v18 =	vand.u32 $0xFFFFFF00, v18  }
0x48: {  	v54 =	vld [tilespmem:s10+$0xFFFFE020];
	v19 =	vand.u32 $0xFFFFFF00, v19;
	v21 =	vand.u32 $0xFFFFFF00, v21;
	v3 =	vor.u32 v3, v9  }
0x49: {  	v22 =	vand.u32 $0xFFFFFF00, v22;
	v2 =	vor.u32 v2, v10;
	v10 =	vld [tilespmem:s10+$0xFFFFE030];
	v3 =	vor.u32 v0, v3  }
0x4a: {  	v26 =	vand.u32 $0xFFFFFF00, v26;
	v15 =	vor.u32 v20, v15;
	v2 =	vor.u32 v0, v2;
	v4 =	vld.idx.msk [tilespmem:v4+s5+$0x0], $0xffff  }
0x4b: {  	v6 =	vor.u32 v17, v6;
	v7 =	vor.u32 v18, v7;
	v15 =	vor.u32 v0, v15;
	v5 =	vld.idx.msk [tilespmem:v5+s5+$0x0], $0xffff  }
0x4c: {  	v55 =	vld [tilespmem:s10+$0x0];
	v8 =	vor.u32 v19, v8;
	v11 =	vor.u32 v21, v11;
	v6 =	vor.u32 v0, v6  }
0x4d: {  	v9 =	vld [tilespmem:s10+$0x30];
	v13 =	vor.u32 v22, v13;
	v21 =	vand.u32 $0xFFFFFF00, v52;
	v7 =	vor.u32 v0, v7  }
0x4e: {  	v12 =	vand.u32 $0x7F, v46;
	v14 =	vand.u32 $0x7F, v47;
	v8 =	vor.u32 v0, v8;
	v3 =	vld.idx.msk [tilespmem:v3+s5+$0x0], $0xffff  }
0x4f: {  	v11 =	vor.u32 v0, v11;
	v12 =	vor.u32 v26, v12;
	v13 =	vor.u32 v0, v13;
	v2 =	vld.idx.msk [tilespmem:v2+s5+$0x0], $0xffff  }
0x50: {  	v14 =	vor.u32 v21, v14;
	v15 =	vld.idx.msk [tilespmem:v15+s5+$0x0], $0xffff;
	v4 =	vmul.f32 v10, v4;
	v5 =	vmul.f32 v16, v5  }
0x51: {  	v12 =	vor.u32 v0, v12;
	v14 =	vor.u32 v0, v14;
	v6 =	vld.idx.msk [tilespmem:v6+s5+$0x0], $0xffff  }
0x52: {  	v7 =	vld.idx.msk [tilespmem:v7+s5+$0x0], $0xffff;
	v4 =	vmax.f32 v4, v5;
	v5 =	vand.u32 $0x7F, v24;
	v24 =	vshll.u32 v24, $0x1  }
0x53: {  	v8 =	vld.idx.msk [tilespmem:v8+s5+$0x0], $0xffff;
	v24 =	vand.u32 $0xFFFFFF00, v24  }
0x54: {  	v11 =	vld.idx.msk [tilespmem:v11+s5+$0x0], $0xffff;
	v5 =	vor.u32 v24, v5  }
0x55: {  	v56 =	vshll.u32 v25, $0x1;
	v13 =	vld.idx.msk [tilespmem:v13+s5+$0x0], $0xffff;
	v5 =	vor.u32 v0, v5  }
0x56: {  	v57 =	vshll.u32 v48, $0x1;
	v25 =	vand.u32 $0x7F, v25;
	v21 =	vand.u32 $0xFFFFFF00, v56;
	v12 =	vld.idx.msk [tilespmem:v12+s5+$0x0], $0xffff  }
0x57: {  	v58 =	vshll.u32 v49, $0x1;
	v20 =	vand.u32 $0x7F, v48;
	v21 =	vor.u32 v21, v25;
	v14 =	vld.idx.msk [tilespmem:v14+s5+$0x0], $0xffff  }
0x58: {  	v17 =	vand.u32 $0x7F, v49;
	v21 =	vor.u32 v0, v21;
	v10 =	vld [tilespmem:s10+$0xFFFFF010];
	v24 =	vand.u32 $0xFFFFFF00, v57  }
0x59: {  	v3 =	vmul.f32 v9, v3;
	v9 =	vld [tilespmem:s10+$0xFFFFF020];
	v20 =	vor.u32 v24, v20;
	v24 =	vand.u32 $0xFFFFFF00, v58  }
0x5a: {  	v2 =	vmul.f32 v23, v2;
	v17 =	vor.u32 v24, v17;
	v20 =	vor.u32 v0, v20;
	v59 =	vld.idx.msk [tilespmem:v5+s5+$0x0], $0xffff  }
0x5b: {  	v3 =	vmax.f32 v4, v3;
	v17 =	vor.u32 v0, v17;
	v5 =	vld [tilespmem:s10+$0x10]  }
0x5c: {  	v61 =	vld [tilespmem:s10+$0x20];
	v15 =	vmul.f32 v50, v15;
	v6 =	vmul.f32 v51, v6;
	v2 =	vmax.f32 v3, v2  }
0x5d: {  	v62 =	vmul.f32 v53, v7;
	v7 =	vld [tilespmem:s10+$0x1000];
	v60 =	vmul.f32 v2, v1  }
0x5e: {  	v2 =	vld.idx.msk [tilespmem:v21+s5+$0x0], $0xffff;
	v8 =	vmul.f32 v10, v8;
	v10 =	vmul.f32 v54, v11  }
0x5f: {  	v9 =	vmul.f32 v9, v13;
	v11 =	vmul.f32 v55, v12;
	v4 =	vld.idx.msk [tilespmem:v20+s5+$0x0], $0xffff  }
0x60: {  	v3 =	vld.idx.msk [tilespmem:v17+s5+$0x0], $0xffff;
	v63 =	vmul.f32 v5, v14;
	v5 =	vmax.f32 v15, v6;
	v6 =	vmax.f32 v62, v8  }
0x61: {  	s11 =	simm.s32 $0x103A0;
	v8 =	vmax.f32 v10, v9;
	v9 =	vld [tilespmem:s10+$0x1010];
	v5 =	vmax.f32 v5, v11;
	v11 =	vmul.f32 v61, v59  }
0x62: {  	s13 =	simm.s32 $0x0;
	s15 =	simm.s32 $0x23C0;
	s12 =	simm.s32 $0x103A0;
	[tilespmem:s11+$0x10] =	vst v60;
	v10 =	vld [tilespmem:s10+$0x1020];
	v6 =	vmax.f32 v6, v63  }
.LBB2_2:
0x63: {  	v12 =	vld [tilespmem:s15+$0x1030];
	v8 =	vmax.f32 v8, v11  }
0x64: {  	v11 =	vld [tilespmem:s15+$0x30]  }
0x65: {  	v13 =	vld [tilespmem:s15+$0xFFFFE030];
	v2 =	vmul.f32 v7, v2  }
0x66: {  	s13 =	sadd.s32 $0x4, s13;
	v7 =	vld [tilespmem:s15+$0xFFFFF030];
	v4 =	vmul.f32 v9, v4  }
0x67: {  	p0 =	slt.u32 s13, $0xFC;
	v9 =	vld [tilespmem:s15+$0xFFFFF000];
	v2 =	vmax.f32 v5, v2;
	v3 =	vmul.f32 v10, v3  }
0x68: {  	v5 =	vld [tilespmem:s15+$0xFFFFE010];
	v10 =	vmul.f32 v2, v1;
	v2 =	vmax.f32 v6, v4  }
0x69: {  	v14 =	vand.u32 $0x7F, v12;
	v4 =	vld [tilespmem:s15+$0xFFFFF010];
	v6 =	vand.u32 $0x7F, v11;
	v3 =	vmax.f32 v8, v3  }
0x6a: {  	v12 =	vshll.u32 v12, $0x1;
	v8 =	vld [tilespmem:s15+$0xFFFFE020];
	v15 =	vand.u32 $0x7F, v13;
	v13 =	vshll.u32 v13, $0x1;
	[tilespmem:s11+$0xFFFFFFE0] =	vst v10  }
0x6b: {  	v10 =	vld [tilespmem:s15+$0xFFFFF020];
	v13 =	vand.u32 $0xFFFFFF00, v13;
	v16 =	vand.u32 $0x7F, v7;
	v7 =	vshll.u32 v7, $0x1  }
0x6c: {  	v11 =	vshll.u32 v11, $0x1;
	v17 =	vld [tilespmem:s15+$0xFFFFE000];
	v13 =	vor.u32 v13, v15;
	v7 =	vand.u32 $0xFFFFFF00, v7  }
0x6d: {  	v11 =	vand.u32 $0xFFFFFF00, v11;
	v15 =	vld [tilespmem:s15+$0x0];
	v13 =	vor.u32 v0, v13;
	v7 =	vor.u32 v7, v16  }
0x6e: {  	s10 =	sadd.s32 $0x40, s10;
	v6 =	vor.u32 v11, v6;
	v11 =	vand.u32 $0xFFFFFF00, v12;
	v16 =	vld [tilespmem:s15+$0x10];
	v7 =	vor.u32 v0, v7  }
0x6f: {  	v12 =	vshll.u32 v9, $0x1;
	v6 =	vor.u32 v0, v6;
	v11 =	vor.u32 v11, v14;
	v18 =	vld [tilespmem:s10+$0x30]  }
0x70: {  	v14 =	vshll.u32 v5, $0x1;
	v11 =	vor.u32 v0, v11;
	v19 =	vshll.u32 v4, $0x1;
	v20 =	vld [tilespmem:s10+$0xFFFFE030]  }
0x71: {  	v22 =	vshll.u32 v8, $0x1;
	v23 =	vshll.u32 v10, $0x1;
	v21 =	vshll.u32 v17, $0x1;
	v24 =	vld [tilespmem:s10+$0xFFFFF030]  }
0x72: {  	v12 =	vand.u32 $0xFFFFFF00, v12;
	v14 =	vand.u32 $0xFFFFFF00, v14;
	v21 =	vand.u32 $0xFFFFFF00, v21;
	v13 =	vld.idx.msk [tilespmem:v13+s5+$0x0], $0xffff  }
0x73: {  	v19 =	vand.u32 $0xFFFFFF00, v19;
	v22 =	vand.u32 $0xFFFFFF00, v22;
	v23 =	vand.u32 $0xFFFFFF00, v23;
	v7 =	vld.idx.msk [tilespmem:v7+s5+$0x0], $0xffff  }
0x74: {  	v9 =	vand.u32 $0x7F, v9;
	v17 =	vand.u32 $0x7F, v17;
	v25 =	vshll.u32 v15, $0x1;
	v6 =	vld.idx.msk [tilespmem:v6+s5+$0x0], $0xffff  }
0x75: {  	v5 =	vand.u32 $0x7F, v5;
	v4 =	vand.u32 $0x7F, v4;
	v26 =	vshll.u32 v16, $0x1;
	v11 =	vld.idx.msk [tilespmem:v11+s5+$0x0], $0xffff  }
0x76: {  	v8 =	vand.u32 $0x7F, v8;
	v10 =	vand.u32 $0x7F, v10;
	v17 =	vor.u32 v21, v17;
	v21 =	vld [tilespmem:s10+$0x1030]  }
0x77: {  	v9 =	vor.u32 v12, v9;
	v5 =	vor.u32 v14, v5;
	v4 =	vor.u32 v19, v4;
	v12 =	vld [tilespmem:s15+$0x20]  }
0x78: {  	v8 =	vor.u32 v22, v8;
	v10 =	vor.u32 v23, v10;
	v14 =	vand.u32 $0xFFFFFF00, v25;
	v19 =	vld [tilespmem:s15+$0x1000]  }
0x79: {  	v22 =	vand.u32 $0xFFFFFF00, v26;
	v13 =	vmul.f32 v20, v13;
	v7 =	vmul.f32 v24, v7;
	v23 =	vld [tilespmem:s15+$0x1010]  }
0x7a: {  	v15 =	vand.u32 $0x7F, v15;
	v16 =	vand.u32 $0x7F, v16;
	v6 =	vmul.f32 v18, v6;
	v20 =	vld [tilespmem:s15+$0x1020]  }
0x7b: {  	v17 =	vor.u32 v0, v17;
	v7 =	vmax.f32 v13, v7;
	v18 =	vld [tilespmem:s10+$0xFFFFE000];
	v11 =	vmul.f32 v21, v11  }
0x7c: {  	v6 =	vmax.f32 v7, v6;
	v13 =	vld [tilespmem:s10+$0xFFFFF000];
	v21 =	vand.u32 $0x7F, v12;
	v12 =	vshll.u32 v12, $0x1  }
0x7d: {  	v7 =	vshll.u32 v19, $0x1;
	v24 =	vld [tilespmem:s10+$0xFFFFE010];
	v12 =	vand.u32 $0xFFFFFF00, v12;
	v6 =	vmax.f32 v6, v11  }
0x7e: {  	v9 =	vor.u32 v0, v9;
	v11 =	vld [tilespmem:s10+$0xFFFFF010];
	v25 =	vshll.u32 v23, $0x1;
	v6 =	vmul.f32 v6, v1  }
0x7f: {  	s11 =	sadd.s32 $0x40, s11;
	v5 =	vor.u32 v0, v5;
	v4 =	vor.u32 v0, v4;
	v26 =	vld [tilespmem:s10+$0xFFFFE020];
	v27 =	vshll.u32 v20, $0x1  }
0x80: {  	v8 =	vor.u32 v0, v8;
	v10 =	vor.u32 v0, v10;
	v14 =	vor.u32 v14, v15;
	v15 =	vld [tilespmem:s10+$0xFFFFF020];
	[tilespmem:s11+$0x10] =	vst v6  }
0x81: {  	v16 =	vor.u32 v22, v16;
	v7 =	vand.u32 $0xFFFFFF00, v7;
	v12 =	vor.u32 v12, v21;
	v6 =	vld.idx.msk [tilespmem:v17+s5+$0x0], $0xffff  }
0x82: {  	v19 =	vand.u32 $0x7F, v19;
	v21 =	vand.u32 $0xFFFFFF00, v25;
	v22 =	vand.u32 $0xFFFFFF00, v27;
	v17 =	vld [tilespmem:s10+$0x0]  }
0x83: {  	v14 =	vor.u32 v0, v14;
	v23 =	vand.u32 $0x7F, v23;
	v20 =	vand.u32 $0x7F, v20;
	v9 =	vld.idx.msk [tilespmem:v9+s5+$0x0], $0xffff  }
0x84: {  	v16 =	vor.u32 v0, v16;
	v7 =	vor.u32 v7, v19;
	v12 =	vor.u32 v0, v12;
	v5 =	vld.idx.msk [tilespmem:v5+s5+$0x0], $0xffff  }
0x85: {  	v7 =	vor.u32 v0, v7;
	v19 =	vor.u32 v21, v23;
	v20 =	vor.u32 v22, v20;
	v4 =	vld.idx.msk [tilespmem:v4+s5+$0x0], $0xffff  }
0x86: {  	v2 =	vmul.f32 v2, v1;
	v19 =	vor.u32 v0, v19;
	v20 =	vor.u32 v0, v20;
	v8 =	vld.idx.msk [tilespmem:v8+s5+$0x0], $0xffff  }
0x87: {  	v3 =	vmul.f32 v3, v1;
	v6 =	vmul.f32 v18, v6;
	v10 =	vld.idx.msk [tilespmem:v10+s5+$0x0], $0xffff  }
0x88: {  	v14 =	vld.idx.msk [tilespmem:v14+s5+$0x0], $0xffff;
	[tilespmem:s12+$0xFFFFFFF0] =	vst v2  }
0x89: {  	v2 =	vmul.f32 v13, v9;
	v9 =	vld.idx.msk [tilespmem:v16+s5+$0x0], $0xffff;
	[tilespmem:s12+$0x0] =	vst v3;
	s12 =	smov.u32 s11  }
0x8a: {  	v3 =	vmul.f32 v24, v5;
	v12 =	vld.idx.msk [tilespmem:v12+s5+$0x0], $0xffff  }
0x8b: {  	v5 =	vmax.f32 v6, v2;
	v4 =	vmul.f32 v11, v4;
	v6 =	vld [tilespmem:s10+$0x10]  }
0x8c: {  	v8 =	vmul.f32 v26, v8;
	v11 =	vld [tilespmem:s10+$0x20]  }
0x8d: {  	v13 =	vmax.f32 v3, v4;
	v3 =	vmul.f32 v15, v10;
	v2 =	vld.idx.msk [tilespmem:v7+s5+$0x0], $0xffff  }
.Ltmp0:
0x8e: {  	v7 =	vmul.f32 v17, v14;
	v4 =	vld.idx.msk [tilespmem:v19+s5+$0x0], $0xffff;
	(pc) =	sbr.rel @p0 .LBB2_2-.Ltmp0, $4  }
0x8f: {  	v8 =	vmax.f32 v8, v3;
	v3 =	vld.idx.msk [tilespmem:v20+s5+$0x0], $0xffff  }
0x90: {  	v5 =	vmax.f32 v5, v7;
	v7 =	vld [tilespmem:s10+$0x1000];
	v6 =	vmul.f32 v6, v9  }
0x91: {  	v9 =	vld [tilespmem:s10+$0x1010];
	v11 =	vmul.f32 v11, v12  }
0x92: {  	s15 =	sadd.s32 $0x40, s15;
	v6 =	vmax.f32 v13, v6;
	v10 =	vld [tilespmem:s10+$0x1020]  }
0x93: {  	_ =	sdelay $0x1  }
0x94: {  	v2 =	vmul.f32 v7, v2  }
0x95: {  	v4 =	vmul.f32 v9, v4  }
0x96: {  	v2 =	vmax.f32 v5, v2;
	v3 =	vmul.f32 v10, v3  }
0x97: {  	v5 =	vmax.f32 v8, v11;
	v2 =	vmul.f32 v2, v1;
	v4 =	vmax.f32 v6, v4  }
0x98: {  	v3 =	vmax.f32 v5, v3;
	v4 =	vmul.f32 v4, v1  }
0x99: {  	[tilespmem:s11+$0xFFFFFFE0] =	vst v2;
	v1 =	vmul.f32 v3, v1  }
0x9a: {  	[tilespmem:s12+$0xFFFFFFF0] =	vst v4  }
0x9b: {  	[tilespmem:s12+$0x0] =	vst v1  }
0x9c: {  	s10 =	simm.s32 $0x0;
	s19 =	simm.s32 $0x10380;
	s4 =	rddreg [dreg:$0xc]  }
0x9d: {  	[hbm4b:s4+s10] =	stream.linear.scatter [tilespmem:s19], [sflag:$0x5], $0x1000, $0x38;
	[tilespmem:$0x12380] =	vst v63  }
0x9e: {  	s20 =	rddreg [dreg:$0xd]  }
0x9f: {  	[tilespmem:s16], [sflag:$0x1] =	stream.strided.gather [hbm4b:s20+s21], $0x4000, s22, s21, $0x38;
	[tilespmem:$0x12380] =	vst v63  }
0xa0: {  	s23 =	rddreg [dreg:$0xe]  }
0xa1: {  	[tilespmem:s17], [sflag:$0x3] =	stream.strided.gather [hbm4b:s23+s21], $0x4000, s22, s21, $0x38;
	[tilespmem:$0x12380] =	vst v63  }
0xa2: {  	_ =	swait.ge [sflag:s3], $0x4000  }
0xa3: {  	[sflag:s3] =	ssyncset.done $0x0  }
0xa4: {  	[sflag:s3] =	ssyncadd.s32 $0xFFFFC000  }
0xa5: {  	_ =	swait.ge [sflag:s0], $0x4000  }
0xa6: {  	[sflag:s0] =	ssyncset.done $0x0  }
0xa7: {  	[sflag:s0] =	ssyncadd.s32 $0xFFFFC000  }
0xa8: {  	s25 =	simm.s32 $0x0;
	s24 =	sand.u32 $0x40, s10;
	v1 =	vld [tilespmem:s14+$0x300]  }
0xa9: {  	s26 =	sand.u32 $0xF80, s10;
	s28 =	sor.u32 $0x10, s24;
	v8 =	vld [tilespmem:s25+$0xF380]  }
0xaa: {  	s15 =	sor.u32 s26, s28;
	v3 =	vld [tilespmem:s25+$0x7380]  }
0xab: {  	s13 =	sor.u32 $0x20, s24;
	v2 =	vld [tilespmem:s15+$0xC380]  }
0xac: {  	s29 =	sor.u32 s26, s13;
	v5 =	vld [tilespmem:s15+$0x7380]  }
0xad: {  	s31 =	sor.u32 $0x30, s24;
	v6 =	vld [tilespmem:s29+$0x7380]  }
0xae: {  	s19 =	sor.u32 s26, s31;
	v4 =	vld [tilespmem:s25+$0x5380]  }
0xaf: {  	v7 =	vld [tilespmem:s19+$0x7380]  }
0xb0: {  	v9 =	vld [tilespmem:s15+$0x6380]  }
0xb1: {  	v10 =	vld [tilespmem:s25+$0x6380]  }
0xb2: {  	v11 =	vld [tilespmem:s29+$0x6380]  }
0xb3: {  	v12 =	vld [tilespmem:s29+$0x5380]  }
0xb4: {  	v13 =	vld [tilespmem:s19+$0x5380]  }
0xb5: {  	v15 =	vld [tilespmem:s25+$0x4380]  }
0xb6: {  	v18 =	vld [tilespmem:s29+$0x4380]  }
0xb7: {  	v30 =	vld [tilespmem:s19+$0x6380];
	v17 =	vshll.u32 v3, $0x1;
	v3 =	vand.u32 $0x7F, v3  }
0xb8: {  	v14 =	vld [tilespmem:s19+$0x4380];
	v20 =	vand.u32 $0x7F, v4;
	v4 =	vshll.u32 v4, $0x1;
	v22 =	vshll.u32 v7, $0x1  }
0xb9: {  	v16 =	vld [tilespmem:s19+$0xD380];
	v7 =	vand.u32 $0x7F, v7;
	v23 =	vshll.u32 v10, $0x1;
	v24 =	vand.u32 $0x7F, v9  }
0xba: {  	v19 =	vld [tilespmem:s15+$0xF380];
	v27 =	vshll.u32 v9, $0x1;
	v29 =	vand.u32 $0x7F, v12;
	v12 =	vshll.u32 v12, $0x1  }
0xbb: {  	v25 =	vld [tilespmem:s25+$0xD380];
	v33 =	vshll.u32 v15, $0x1;
	v36 =	vand.u32 $0x7F, v18;
	v15 =	vand.u32 $0x7F, v15  }
0xbc: {  	v26 =	vld [tilespmem:s15+$0x4380];
	v18 =	vshll.u32 v18, $0x1;
	v60 =	vand.u32 $0x7F, v30;
	v17 =	vand.u32 $0xFFFFFF00, v17  }
0xbd: {  	v28 =	vld [tilespmem:s29+$0xF380];
	v21 =	vand.u32 $0xFFFFFF00, v4;
	v22 =	vand.u32 $0xFFFFFF00, v22;
	v18 =	vand.u32 $0xFFFFFF00, v18  }
0xbe: {  	v31 =	vld [tilespmem:s19+$0xF380];
	v17 =	vor.u32 v17, v3;
	v20 =	vor.u32 v21, v20;
	v7 =	vor.u32 v22, v7  }
0xbf: {  	v32 =	vld [tilespmem:s29+$0xD380];
	v22 =	vshll.u32 v5, $0x1;
	v5 =	vand.u32 $0x7F, v5;
	v18 =	vor.u32 v18, v36  }
0xc0: {  	v35 =	vld [tilespmem:s29+$0xE380];
	v17 =	vor.u32 v0, v17;
	v20 =	vor.u32 v0, v20;
	v7 =	vor.u32 v0, v7  }
0xc1: {  	v61 =	vld [tilespmem:s15+$0xD380];
	v9 =	vand.u32 $0xFFFFFF00, v22;
	v22 =	vshll.u32 v11, $0x1;
	v11 =	vand.u32 $0x7F, v11  }
0xc2: {  	v4 =	vld [tilespmem:s25+$0xC380];
	v5 =	vor.u32 v9, v5;
	v9 =	vand.u32 $0xFFFFFF00, v22;
	v22 =	vshll.u32 v13, $0x1  }
0xc3: {  	v3 =	vld [tilespmem:s19+$0xE380];
	v13 =	vand.u32 $0x7F, v13;
	v5 =	vor.u32 v0, v5;
	v22 =	vand.u32 $0xFFFFFF00, v22  }
0xc4: {  	v21 =	vld [tilespmem:s15+$0x5380];
	v18 =	vor.u32 v0, v18;
	v9 =	vor.u32 v9, v11;
	v13 =	vor.u32 v22, v13  }
0xc5: {  	v22 =	vor.u32 v0, v9;
	v11 =	vld.idx.msk [tilespmem:v7+s5+$0x0], $0xffff;
	v7 =	vand.u32 $0xFFFFFF00, v12;
	v12 =	vshll.u32 v6, $0x1  }
0xc6: {  	v9 =	vld [tilespmem:s15+$0xE380];
	v6 =	vand.u32 $0x7F, v6;
	v7 =	vor.u32 v7, v29;
	v12 =	vand.u32 $0xFFFFFF00, v12  }
0xc7: {  	v17 =	vld.idx.msk [tilespmem:v17+s5+$0x0], $0xffff;
	v29 =	vor.u32 v0, v7;
	v12 =	vor.u32 v12, v6;
	v7 =	vshll.u32 v26, $0x1  }
0xc8: {  	v34 =	vld.idx.msk [tilespmem:v5+s5+$0x0], $0xffff;
	v5 =	vand.u32 $0xFFFFFF00, v27;
	v26 =	vand.u32 $0x7F, v26;
	v7 =	vand.u32 $0xFFFFFF00, v7  }
0xc9: {  	v59 =	vld.idx.msk [tilespmem:v20+s5+$0x0], $0xffff;
	v27 =	vor.u32 v0, v13;
	v26 =	vor.u32 v7, v26;
	v7 =	vshll.u32 v21, $0x1  }
0xca: {  	v13 =	vand.u32 $0x7F, v21;
	v12 =	vor.u32 v0, v12;
	v21 =	vld.idx.msk [tilespmem:v22+s5+$0x0], $0xffff;
	v22 =	vand.u32 $0xFFFFFF00, v7  }
0xcb: {  	v18 =	vld.idx.msk [tilespmem:v18+s5+$0x0], $0xffff;
	v5 =	vor.u32 v5, v24;
	v24 =	vand.u32 $0xFFFFFF00, v33;
	v22 =	vor.u32 v22, v13  }
0xcc: {  	v10 =	vand.u32 $0x7F, v10;
	v6 =	vld [tilespmem:s25+$0xE380];
	v15 =	vor.u32 v24, v15;
	v22 =	vor.u32 v0, v22  }
0xcd: {  	v23 =	vand.u32 $0xFFFFFF00, v23;
	v20 =	vshll.u32 v30, $0x1;
	v7 =	vld [tilespmem:s19+$0xC380];
	v15 =	vor.u32 v0, v15  }
0xce: {  	v10 =	vor.u32 v23, v10;
	v20 =	vand.u32 $0xFFFFFF00, v20;
	v5 =	vor.u32 v0, v5;
	v24 =	vld.idx.msk [tilespmem:v29+s5+$0x0], $0xffff  }
0xcf: {  	v62 =	vor.u32 v0, v10;
	v23 =	vld.idx.msk [tilespmem:v12+s5+$0x0], $0xffff;
	v12 =	vor.u32 v20, v60  }
0xd0: {  	v26 =	vor.u32 v0, v26;
	v27 =	vld.idx.msk [tilespmem:v27+s5+$0x0], $0xffff;
	v37 =	vor.u32 v0, v12;
	v12 =	vshll.u32 v14, $0x1  }
0xd1: {  	v10 =	vmul.f32 v8, v17;
	v17 =	vand.u32 $0xFFFFFF00, v12;
	v63 =	vld.idx.msk [tilespmem:v22+s5+$0x0], $0xffff;
	v22 =	vand.u32 $0x7F, v14  }
0xd2: {  	v20 =	vld.idx.msk [tilespmem:v15+s5+$0x0], $0xffff;
	v15 =	vor.u32 v17, v22  }
0xd3: {  	v5 =	vld.idx.msk [tilespmem:v5+s5+$0x0], $0xffff;
	v22 =	vmul.f32 v32, v24;
	v24 =	vor.u32 v0, v15  }
0xd4: {  	v8 =	vmul.f32 v31, v11;
	v13 =	vld [tilespmem:s29+$0xC380]  }
0xd5: {  	s16 =	simm.s32 $0x100;
	s14 =	sadd.s32 $0x11380, s26;
	v11 =	vmul.f32 v19, v34;
	v19 =	vld.idx.msk [tilespmem:v26+s5+$0x0], $0xffff;
	v14 =	vmul.f32 v35, v21  }
0xd6: {  	s17 =	simm.s32 $0x40;
	s10 =	sor.u32 s28, s14;
	s13 =	sor.u32 s13, s14;
	v12 =	vmul.f32 v16, v27;
	v16 =	vmul.f32 v25, v59;
	v21 =	vld.idx.msk [tilespmem:v62+s5+$0x0], $0xffff  }
0xd7: {  	s11 =	sor.u32 s24, s14;
	s12 =	sor.u32 s31, s14;
	s15 =	simm.s32 $0x0;
	v17 =	vmul.f32 v28, v23;
	v15 =	vld.idx.msk [tilespmem:v37+s5+$0x0], $0xffff;
	v23 =	vmul.f32 v61, v63  }
.LBB2_4:
0xd8: {  	s23 =	sand.u32 $0x40, s17;
	s20 =	sshra.s32 s16, $0x2;
	s15 =	sadd.s32 $0x4, s15;
	v9 =	vmul.f32 v9, v5;
	v24 =	vld.idx.msk [tilespmem:v24+s5+$0x0], $0xffff  }
0xd9: {  	s24 =	sand.u32 $0xF80, s17;
	v13 =	vmul.f32 v13, v18;
	v5 =	vld [tilespmem:s20+$0xF380];
	s14 =	sor.u32 $0x10, s23;
	s28 =	sor.u32 $0x20, s23  }
0xda: {  	s4 =	sor.u32 $0x30, s23;
	p0 =	slt.u32 s15, $0xFC;
	v19 =	vmul.f32 v2, v19;
	v18 =	vld [tilespmem:s20+$0x7380];
	s19 =	sor.u32 s24, s14  }
0xdb: {  	s25 =	sadd.s32 $0x11380, s24;
	v4 =	vmul.f32 v4, v20;
	v13 =	vmax.f32 v13, v22;
	v2 =	vld [tilespmem:s19+$0xC380]  }
0xdc: {  	s26 =	sor.u32 s14, s25;
	s14 =	sor.u32 s24, s28;
	s28 =	sor.u32 s28, s25;
	v6 =	vmul.f32 v6, v21;
	v19 =	vmax.f32 v19, v23;
	v13 =	vmax.f32 v13, v14;
	v20 =	vld [tilespmem:s19+$0x7380]  }
0xdd: {  	s23 =	sor.u32 s23, s25;
	s25 =	sor.u32 s4, s25;
	v4 =	vmax.f32 v4, v16;
	v9 =	vmax.f32 v19, v9;
	v13 =	vmax.f32 v13, v17;
	v14 =	vld [tilespmem:s14+$0x7380]  }
0xde: {  	s24 =	sor.u32 s24, s4;
	v9 =	vmax.f32 v9, v11;
	v11 =	vmul.f32 v13, v1;
	v7 =	vmul.f32 v7, v24;
	v16 =	vld [tilespmem:s20+$0x5380]  }
0xdf: {  	v4 =	vmax.f32 v4, v6;
	v6 =	vmul.f32 v9, v1;
	v13 =	vshll.u32 v18, $0x1;
	v17 =	vld [tilespmem:s24+$0x7380]  }
0xe0: {  	v3 =	vmul.f32 v3, v15;
	v9 =	vand.u32 $0x7F, v18;
	v13 =	vand.u32 $0xFFFFFF00, v13;
	v18 =	vld [tilespmem:s19+$0x6380];
	[tilespmem:s13+$0x0] =	vst v11;
	s13 =	smov.u32 s28  }
0xe1: {  	v4 =	vmax.f32 v4, v10;
	v11 =	vld [tilespmem:s20+$0x6380];
	v9 =	vor.u32 v13, v9;
	[tilespmem:s10+$0x0] =	vst v6;
	v6 =	vmax.f32 v7, v12;
	s10 =	smov.u32 s26  }
0xe2: {  	v4 =	vmul.f32 v4, v1;
	v7 =	vld [tilespmem:s14+$0x6380];
	v3 =	vmax.f32 v6, v3  }
0xe3: {  	v6 =	vand.u32 $0x7F, v16;
	v10 =	vshll.u32 v16, $0x1;
	v12 =	vld [tilespmem:s14+$0x5380];
	v3 =	vmax.f32 v3, v8  }
0xe4: {  	v9 =	vor.u32 v0, v9;
	v8 =	vand.u32 $0xFFFFFF00, v10;
	v10 =	vld [tilespmem:s24+$0x5380];
	[tilespmem:s11+$0x0] =	vst v4;
	v3 =	vmul.f32 v3, v1;
	s11 =	smov.u32 s23  }
0xe5: {  	v4 =	vor.u32 v8, v6;
	v6 =	vld [tilespmem:s24+$0x4380]  }
0xe6: {  	v15 =	vand.u32 $0x7F, v18;
	v8 =	vld [tilespmem:s20+$0x4380];
	v13 =	vshll.u32 v11, $0x1;
	[tilespmem:s12+$0x0] =	vst v3;
	s12 =	smov.u32 s25  }
0xe7: {  	v18 =	vshll.u32 v18, $0x1;
	v16 =	vor.u32 v0, v4;
	v3 =	vshll.u32 v7, $0x1;
	v19 =	vld [tilespmem:s24+$0xD380]  }
0xe8: {  	v21 =	vld [tilespmem:s14+$0x4380];
	v22 =	vand.u32 $0x7F, v12;
	v12 =	vshll.u32 v12, $0x1;
	v23 =	vand.u32 $0xFFFFFF00, v3  }
0xe9: {  	v3 =	vshll.u32 v20, $0x1;
	v24 =	vld [tilespmem:s19+$0xF380];
	v25 =	vand.u32 $0x7F, v10;
	v10 =	vshll.u32 v10, $0x1  }
0xea: {  	v7 =	vand.u32 $0x7F, v7;
	v26 =	vand.u32 $0xFFFFFF00, v3;
	v27 =	vand.u32 $0x7F, v6;
	v3 =	vld [tilespmem:s24+$0xE380]  }
0xeb: {  	v28 =	vshll.u32 v17, $0x1;
	v20 =	vand.u32 $0x7F, v20;
	v10 =	vand.u32 $0xFFFFFF00, v10;
	v4 =	vld [tilespmem:s20+$0xC380]  }
0xec: {  	v17 =	vand.u32 $0x7F, v17;
	v10 =	vor.u32 v10, v25;
	v25 =	vand.u32 $0xFFFFFF00, v28;
	v29 =	vld [tilespmem:s19+$0x5380]  }
0xed: {  	v30 =	vshll.u32 v14, $0x1;
	v12 =	vand.u32 $0xFFFFFF00, v12;
	v17 =	vor.u32 v25, v17;
	v28 =	vld [tilespmem:s20+$0xD380]  }
0xee: {  	v12 =	vor.u32 v12, v22;
	v22 =	vand.u32 $0xFFFFFF00, v30;
	v17 =	vor.u32 v0, v17;
	v25 =	vld [tilespmem:s19+$0x4380]  }
0xef: {  	v14 =	vand.u32 $0x7F, v14;
	v20 =	vor.u32 v26, v20;
	v12 =	vor.u32 v0, v12;
	v26 =	vld [tilespmem:s14+$0xF380]  }
0xf0: {  	v7 =	vor.u32 v23, v7;
	v6 =	vshll.u32 v6, $0x1;
	v14 =	vor.u32 v22, v14;
	v30 =	vld.idx.msk [tilespmem:v9+s5+$0x0], $0xffff  }
0xf1: {  	v18 =	vand.u32 $0xFFFFFF00, v18;
	v20 =	vor.u32 v0, v20;
	v9 =	vshll.u32 v8, $0x1;
	v22 =	vld [tilespmem:s24+$0x6380]  }
0xf2: {  	v32 =	vor.u32 v0, v10;
	v31 =	vand.u32 $0x7F, v21;
	v23 =	vand.u32 $0x7F, v29;
	v33 =	vld [tilespmem:s24+$0xF380]  }
0xf3: {  	v7 =	vor.u32 v0, v7;
	v8 =	vand.u32 $0x7F, v8;
	v10 =	vshll.u32 v25, $0x1;
	v17 =	vld.idx.msk [tilespmem:v17+s5+$0x0], $0xffff  }
0xf4: {  	v35 =	vand.u32 $0xFFFFFF00, v6;
	v25 =	vand.u32 $0x7F, v25;
	v10 =	vand.u32 $0xFFFFFF00, v10;
	v34 =	vld [tilespmem:s14+$0xD380]  }
0xf5: {  	v21 =	vshll.u32 v21, $0x1;
	v6 =	vand.u32 $0xFFFFFF00, v9;
	v10 =	vor.u32 v10, v25;
	v9 =	vld [tilespmem:s19+$0xE380]  }
0xf6: {  	v25 =	vor.u32 v0, v10;
	v20 =	vld.idx.msk [tilespmem:v20+s5+$0x0], $0xffff;
	v10 =	vand.u32 $0xFFFFFF00, v21;
	v21 =	vshll.u32 v22, $0x1  }
0xf7: {  	v14 =	vor.u32 v0, v14;
	v36 =	vor.u32 v6, v8;
	v8 =	vand.u32 $0x7F, v22;
	v6 =	vld [tilespmem:s20+$0xE380]  }
0xf8: {  	v22 =	vshll.u32 v29, $0x1;
	v29 =	vor.u32 v10, v31;
	v21 =	vand.u32 $0xFFFFFF00, v21;
	v31 =	vld [tilespmem:s14+$0xE380]  }
0xf9: {  	v15 =	vor.u32 v18, v15;
	v27 =	vor.u32 v35, v27;
	v22 =	vand.u32 $0xFFFFFF00, v22;
	v18 =	vld.idx.msk [tilespmem:v7+s5+$0x0], $0xffff  }
0xfa: {  	v10 =	vmul.f32 v5, v30;
	v5 =	vor.u32 v22, v23;
	v21 =	vor.u32 v21, v8;
	v7 =	vld [tilespmem:s24+$0xC380]  }
0xfb: {  	v11 =	vand.u32 $0x7F, v11;
	v22 =	vand.u32 $0xFFFFFF00, v13;
	v8 =	vmul.f32 v33, v17;
	v13 =	vld [tilespmem:s14+$0xC380]  }
0xfc: {  	v17 =	vor.u32 v22, v11;
	v5 =	vor.u32 v0, v5;
	v22 =	vld.idx.msk [tilespmem:v32+s5+$0x0], $0xffff  }
0xfd: {  	v15 =	vor.u32 v0, v15;
	v16 =	vld.idx.msk [tilespmem:v16+s5+$0x0], $0xffff  }
0xfe: {  	v11 =	vmul.f32 v24, v20;
	v20 =	vor.u32 v0, v29;
	v23 =	vld.idx.msk [tilespmem:v12+s5+$0x0], $0xffff  }
0xff: {  	v29 =	vld [tilespmem:s19+$0xD380]  }
0x100: {  	v30 =	vor.u32 v0, v36;
	v32 =	vld.idx.msk [tilespmem:v14+s5+$0x0], $0xffff  }
0x101: {  	v17 =	vor.u32 v0, v17;
	v33 =	vld.idx.msk [tilespmem:v5+s5+$0x0], $0xffff  }
0x102: {  	v14 =	vmul.f32 v31, v18;
	v12 =	vmul.f32 v19, v22;
	v5 =	vld.idx.msk [tilespmem:v15+s5+$0x0], $0xffff;
	v15 =	vor.u32 v0, v21  }
.Ltmp1:
0x103: {  	v24 =	vor.u32 v0, v27;
	v16 =	vmul.f32 v28, v16;
	v18 =	vld.idx.msk [tilespmem:v20+s5+$0x0], $0xffff;
	(pc) =	sbr.rel @p0 .LBB2_4-.Ltmp1, $4  }
0x104: {  	v22 =	vmul.f32 v34, v23;
	v19 =	vld.idx.msk [tilespmem:v25+s5+$0x0], $0xffff  }
0x105: {  	v20 =	vld.idx.msk [tilespmem:v30+s5+$0x0], $0xffff  }
0x106: {  	v21 =	vld.idx.msk [tilespmem:v17+s5+$0x0], $0xffff;
	v17 =	vmul.f32 v26, v32  }
0x107: {  	s16 =	sadd.s32 $0x100, s16;
	s17 =	sadd.s32 $0x40, s17;
	v23 =	vmul.f32 v29, v33;
	v15 =	vld.idx.msk [tilespmem:v15+s5+$0x0], $0xffff  }
0x108: {  	_ =	sdelay $0x3  }
0x109: {  	v24 =	vld.idx.msk [tilespmem:v24+s5+$0x0], $0xffff  }
0x10a: {  	v13 =	vmul.f32 v13, v18  }
0x10b: {  	v2 =	vmul.f32 v2, v19  }
0x10c: {  	v5 =	vmul.f32 v9, v5;
	v4 =	vmul.f32 v4, v20;
	v61 =	vmax.f32 v13, v22  }
0x10d: {  	v6 =	vmul.f32 v6, v21;
	v2 =	vmax.f32 v2, v23;
	v9 =	vmax.f32 v61, v14  }
0x10e: {  	v4 =	vmax.f32 v4, v16;
	v2 =	vmax.f32 v2, v5;
	v62 =	vmul.f32 v7, v24  }
0x10f: {  	v63 =	vmax.f32 v9, v17;
	v3 =	vmul.f32 v3, v15;
	v2 =	vmax.f32 v2, v11  }
0x110: {  	v7 =	vmul.f32 v63, v1;
	v4 =	vmax.f32 v4, v6;
	v5 =	vmax.f32 v62, v12  }
0x111: {  	v2 =	vmul.f32 v2, v1;
	v4 =	vmax.f32 v4, v10;
	v3 =	vmax.f32 v5, v3  }
0x112: {  	[tilespmem:s13+$0x0] =	vst v7;
	v4 =	vmul.f32 v4, v1;
	v3 =	vmax.f32 v3, v8  }
0x113: {  	[tilespmem:s10+$0x0] =	vst v2;
	v1 =	vmul.f32 v3, v1  }
0x114: {  	[tilespmem:s11+$0x0] =	vst v4  }
0x115: {  	[tilespmem:s12+$0x0] =	vst v1  }
0x116: {  	s31 =	simm.s32 $0x11380;
	s24 =	simm.s32 $0x1;
	s4 =	rddreg [dreg:$0xf]  }
0x117: {  	[hbm4b:s4+s5] =	stream.linear.scatter [tilespmem:s31], [sflag:$0x6], $0x1000, $0x38;
	[tilespmem:$0x12380] =	vst v63  }
.LBB2_6:
0x118: {  	s12 =	sadd.s32 s6, s24  }
0x119: {  	s10 =	sshrl.u32 s12, $0x6  }
0x11a: {  	s4 =	sshll.u32 s10, $0x15  }
0x11b: {  	s11 =	sshll.u32 s12, $0xD;
	p0 =	seq.s32 s10, $0x2;
	s4 =	sadd.s32 $0x200000, s4  }
0x11c: {  	s13 =	sand.u32 $0x7E000, s11;
	s4 =	simm.s32 @p0 $0x2  }
0x11d: {  	s4 =	sor.u32 s13, s4  }
0x11e: {  	s4 =	sshrl.u32 s4, $0x3  }
0x11f: {  	s4 =	sor.u32 $0x200, s4  }
0x120: {  	s14 =	simm.s32 $0x4380;
	s28 =	sadd.s32 s1, s4  }
0x121: {  	[tilespmem:s14], [sflag:$0x2] =	stream.strided.gather [hbm4b:s28+s21], $0x4000, s22, s21, $0x38;
	[tilespmem:$0x12380] =	vst v63  }
0x122: {  	s29 =	simm.s32 $0xC380;
	s4 =	sadd.s32 s2, s4  }
0x123: {  	[tilespmem:s29], [sflag:$0x4] =	stream.strided.gather [hbm4b:s4+s21], $0x4000, s22, s21, $0x38;
	[tilespmem:$0x12380] =	vst v63  }
0x124: {  	_ =	swait.ge [sflag:s9], $0x4000  }
0x125: {  	[sflag:s9] =	ssyncset.done $0x0  }
0x126: {  	[sflag:s9] =	ssyncadd.s32 $0xFFFFC000  }
0x127: {  	_ =	swait.ge [sflag:s30], $0x4000  }
0x128: {  	[sflag:s30] =	ssyncset.done $0x0  }
0x129: {  	[sflag:s30] =	ssyncadd.s32 $0xFFFFC000  }
0x12a: {  	_ =	swait.ge [sflag:s7], $0x1000  }
0x12b: {  	s11 =	simm.s32 $0x10;
	p0 =	seq.s32 s10, $0x1;
	[sflag:s7] =	ssyncset.done $0x0  }
0x12c: {  	s11 =	simm.s32 @!p0 $0x0;
	[sflag:s7] =	ssyncadd.s32 $0xFFFFF000  }
0x12d: {  	s31 =	simm.s32 $0x2380;
	v2 =	vld [tilespmem:s11+$0x300]  }
0x12e: {  	v3 =	vld [tilespmem:s31+$0x1030]  }
0x12f: {  	v4 =	vld [tilespmem:s31+$0x30]  }
0x130: {  	v5 =	vld [tilespmem:s31+$0xFFFFE030]  }
0x131: {  	v6 =	vld [tilespmem:s31+$0xFFFFF030]  }
0x132: {  	v7 =	vld [tilespmem:s31+$0xFFFFF000]  }
0x133: {  	v8 =	vld [tilespmem:s31+$0xFFFFE010]  }
0x134: {  	v9 =	vld [tilespmem:s31+$0xFFFFF010]  }
0x135: {  	s4 =	simm.s32 $0x1;
	v12 =	vld [tilespmem:s31+$0xFFFFE020]  }
0x136: {  	s4 =	simm.s32 @!p0 $0x0;
	v14 =	vld [tilespmem:s31+$0xFFFFF020]  }
0x137: {  	s15 =	simm.s32 $0xA380;
	v1 =	vmov s4;
	v16 =	vld [tilespmem:s31+$0xFFFFE000]  }
0x138: {  	v1 =	vshll.u32 v1, $0x7;
	v17 =	vld [tilespmem:s15+$0xFFFFF030]  }
0x139: {  	v1 =	vbroadcast v1, $0x0;
	v24 =	vld [tilespmem:s15+$0x1030];
	v10 =	vand.u32 $0x7F, v4;
	v11 =	vand.u32 $0x7F, v3  }
0x13a: {  	v25 =	vld [tilespmem:s31+$0x20];
	v13 =	vand.u32 $0x7F, v5;
	v5 =	vshll.u32 v5, $0x1;
	v3 =	vshll.u32 v3, $0x1  }
0x13b: {  	v26 =	vld [tilespmem:s31+$0x1000];
	v15 =	vand.u32 $0x7F, v6;
	v6 =	vshll.u32 v6, $0x1;
	v4 =	vshll.u32 v4, $0x1  }
0x13c: {  	v49 =	vld [tilespmem:s31+$0x1010];
	v18 =	vshll.u32 v7, $0x1;
	v19 =	vshll.u32 v8, $0x1;
	v20 =	vshll.u32 v9, $0x1  }
0x13d: {  	v50 =	vld [tilespmem:s31+$0x1020];
	v21 =	vshll.u32 v16, $0x1;
	v22 =	vshll.u32 v12, $0x1;
	v23 =	vshll.u32 v14, $0x1  }
0x13e: {  	v51 =	vld [tilespmem:s15+$0xFFFFE000];
	v16 =	vand.u32 $0x7F, v16;
	v7 =	vand.u32 $0x7F, v7;
	v5 =	vand.u32 $0xFFFFFF00, v5  }
0x13f: {  	v52 =	vld [tilespmem:s15+$0xFFFFF000];
	v8 =	vand.u32 $0x7F, v8;
	v6 =	vand.u32 $0xFFFFFF00, v6;
	v5 =	vor.u32 v5, v13  }
0x140: {  	v54 =	vld [tilespmem:s15+$0xFFFFE010];
	v9 =	vand.u32 $0x7F, v9;
	v6 =	vor.u32 v6, v15;
	v5 =	vor.u32 v1, v5  }
0x141: {  	v55 =	vld [tilespmem:s15+$0xFFFFE020];
	v12 =	vand.u32 $0x7F, v12;
	v14 =	vand.u32 $0x7F, v14;
	v6 =	vor.u32 v1, v6  }
0x142: {  	v4 =	vand.u32 $0xFFFFFF00, v4;
	v3 =	vand.u32 $0xFFFFFF00, v3;
	v21 =	vand.u32 $0xFFFFFF00, v21;
	v13 =	vld [tilespmem:s31+$0x0]  }
0x143: {  	v18 =	vand.u32 $0xFFFFFF00, v18;
	v19 =	vand.u32 $0xFFFFFF00, v19;
	v15 =	vld [tilespmem:s31+$0x10];
	v4 =	vor.u32 v4, v10  }
0x144: {  	v20 =	vand.u32 $0xFFFFFF00, v20;
	v3 =	vor.u32 v3, v11;
	v11 =	vld [tilespmem:s15+$0xFFFFE030];
	v4 =	vor.u32 v1, v4  }
0x145: {  	v22 =	vand.u32 $0xFFFFFF00, v22;
	v16 =	vor.u32 v21, v16;
	v3 =	vor.u32 v1, v3;
	v5 =	vld.idx.msk [tilespmem:v5+s5+$0x0], $0xffff  }
0x146: {  	v23 =	vand.u32 $0xFFFFFF00, v23;
	v7 =	vor.u32 v18, v7;
	v16 =	vor.u32 v1, v16;
	v6 =	vld.idx.msk [tilespmem:v6+s5+$0x0], $0xffff  }
0x147: {  	v56 =	vld [tilespmem:s15+$0x0];
	v8 =	vor.u32 v19, v8;
	v9 =	vor.u32 v20, v9;
	v7 =	vor.u32 v1, v7  }
0x148: {  	v10 =	vld [tilespmem:s15+$0x30];
	v12 =	vor.u32 v22, v12;
	v14 =	vor.u32 v23, v14;
	v8 =	vor.u32 v1, v8  }
0x149: {  	v9 =	vor.u32 v1, v9;
	v12 =	vor.u32 v1, v12;
	v14 =	vor.u32 v1, v14;
	v4 =	vld.idx.msk [tilespmem:v4+s5+$0x0], $0xffff  }
0x14a: {  	v27 =	vshll.u32 v13, $0x1;
	v53 =	vshll.u32 v15, $0x1;
	v13 =	vand.u32 $0x7F, v13;
	v3 =	vld.idx.msk [tilespmem:v3+s5+$0x0], $0xffff  }
0x14b: {  	v27 =	vand.u32 $0xFFFFFF00, v27;
	v16 =	vld.idx.msk [tilespmem:v16+s5+$0x0], $0xffff;
	v5 =	vmul.f32 v11, v5;
	v6 =	vmul.f32 v17, v6  }
0x14c: {  	v15 =	vand.u32 $0x7F, v15;
	v22 =	vand.u32 $0xFFFFFF00, v53;
	v7 =	vld.idx.msk [tilespmem:v7+s5+$0x0], $0xffff;
	v13 =	vor.u32 v27, v13  }
0x14d: {  	v8 =	vld.idx.msk [tilespmem:v8+s5+$0x0], $0xffff;
	v5 =	vmax.f32 v5, v6;
	v6 =	vand.u32 $0x7F, v25;
	v25 =	vshll.u32 v25, $0x1  }
0x14e: {  	v9 =	vld.idx.msk [tilespmem:v9+s5+$0x0], $0xffff;
	v15 =	vor.u32 v22, v15;
	v13 =	vor.u32 v1, v13;
	v25 =	vand.u32 $0xFFFFFF00, v25  }
0x14f: {  	v12 =	vld.idx.msk [tilespmem:v12+s5+$0x0], $0xffff;
	v15 =	vor.u32 v1, v15;
	v6 =	vor.u32 v25, v6  }
0x150: {  	v57 =	vshll.u32 v26, $0x1;
	v14 =	vld.idx.msk [tilespmem:v14+s5+$0x0], $0xffff;
	v6 =	vor.u32 v1, v6  }
0x151: {  	v58 =	vshll.u32 v49, $0x1;
	v26 =	vand.u32 $0x7F, v26;
	v59 =	vshll.u32 v50, $0x1;
	v11 =	vld [tilespmem:s15+$0xFFFFF010]  }
0x152: {  	v21 =	vand.u32 $0x7F, v49;
	v22 =	vand.u32 $0xFFFFFF00, v57;
	v4 =	vmul.f32 v10, v4;
	v10 =	vld [tilespmem:s15+$0xFFFFF020]  }
0x153: {  	v18 =	vand.u32 $0x7F, v50;
	v22 =	vor.u32 v22, v26;
	v13 =	vld.idx.msk [tilespmem:v13+s5+$0x0], $0xffff;
	v25 =	vand.u32 $0xFFFFFF00, v58  }
0x154: {  	v22 =	vor.u32 v1, v22;
	v15 =	vld.idx.msk [tilespmem:v15+s5+$0x0], $0xffff;
	v21 =	vor.u32 v25, v21;
	v25 =	vand.u32 $0xFFFFFF00, v59  }
0x155: {  	v3 =	vmul.f32 v24, v3;
	v18 =	vor.u32 v25, v18;
	v21 =	vor.u32 v1, v21;
	v60 =	vld.idx.msk [tilespmem:v6+s5+$0x0], $0xffff  }
0x156: {  	v4 =	vmax.f32 v5, v4;
	v18 =	vor.u32 v1, v18;
	v6 =	vld [tilespmem:s15+$0x10]  }
0x157: {  	v62 =	vld [tilespmem:s15+$0x20];
	v16 =	vmul.f32 v51, v16;
	v7 =	vmul.f32 v52, v7;
	v3 =	vmax.f32 v4, v3  }
0x158: {  	v63 =	vmul.f32 v54, v8;
	v8 =	vld [tilespmem:s15+$0x1000];
	v61 =	vmul.f32 v3, v2  }
0x159: {  	v3 =	vld.idx.msk [tilespmem:v22+s5+$0x0], $0xffff;
	v9 =	vmul.f32 v11, v9;
	v11 =	vmul.f32 v55, v12  }
0x15a: {  	v10 =	vmul.f32 v10, v14;
	v12 =	vmul.f32 v56, v13;
	v5 =	vld.idx.msk [tilespmem:v21+s5+$0x0], $0xffff  }
0x15b: {  	v4 =	vld.idx.msk [tilespmem:v18+s5+$0x0], $0xffff;
	v13 =	vmul.f32 v6, v15;
	v6 =	vmax.f32 v16, v7;
	v7 =	vmax.f32 v63, v9  }
0x15c: {  	s16 =	simm.s32 $0x103A0;
	v9 =	vmax.f32 v11, v10;
	v10 =	vld [tilespmem:s15+$0x1010];
	v6 =	vmax.f32 v6, v12;
	v12 =	vmul.f32 v62, v60  }
0x15d: {  	s19 =	simm.s32 $0x0;
	s20 =	simm.s32 $0x23C0;
	s17 =	simm.s32 $0x103A0;
	[tilespmem:s16+$0x10] =	vst v61;
	v11 =	vld [tilespmem:s15+$0x1020];
	v7 =	vmax.f32 v7, v13  }
.LBB2_7:
0x15e: {  	v13 =	vld [tilespmem:s20+$0x1030];
	v9 =	vmax.f32 v9, v12  }
0x15f: {  	v12 =	vld [tilespmem:s20+$0x30]  }
0x160: {  	v14 =	vld [tilespmem:s20+$0xFFFFE030];
	v3 =	vmul.f32 v8, v3  }
0x161: {  	s19 =	sadd.s32 $0x4, s19;
	v8 =	vld [tilespmem:s20+$0xFFFFF030];
	v5 =	vmul.f32 v10, v5  }
0x162: {  	p0 =	slt.u32 s19, $0xFC;
	v10 =	vld [tilespmem:s20+$0xFFFFF000];
	v3 =	vmax.f32 v6, v3;
	v4 =	vmul.f32 v11, v4  }
0x163: {  	v6 =	vld [tilespmem:s20+$0xFFFFE010];
	v11 =	vmul.f32 v3, v2;
	v3 =	vmax.f32 v7, v5  }
0x164: {  	v15 =	vand.u32 $0x7F, v13;
	v5 =	vld [tilespmem:s20+$0xFFFFF010];
	v7 =	vand.u32 $0x7F, v12;
	v4 =	vmax.f32 v9, v4  }
0x165: {  	v13 =	vshll.u32 v13, $0x1;
	v9 =	vld [tilespmem:s20+$0xFFFFE020];
	v16 =	vand.u32 $0x7F, v14;
	v14 =	vshll.u32 v14, $0x1;
	[tilespmem:s16+$0xFFFFFFE0] =	vst v11  }
0x166: {  	v11 =	vld [tilespmem:s20+$0xFFFFF020];
	v14 =	vand.u32 $0xFFFFFF00, v14;
	v17 =	vand.u32 $0x7F, v8;
	v8 =	vshll.u32 v8, $0x1  }
0x167: {  	v12 =	vshll.u32 v12, $0x1;
	v18 =	vld [tilespmem:s20+$0xFFFFE000];
	v14 =	vor.u32 v14, v16;
	v8 =	vand.u32 $0xFFFFFF00, v8  }
0x168: {  	v12 =	vand.u32 $0xFFFFFF00, v12;
	v16 =	vld [tilespmem:s20+$0x0];
	v14 =	vor.u32 v1, v14;
	v8 =	vor.u32 v8, v17  }
0x169: {  	s15 =	sadd.s32 $0x40, s15;
	v7 =	vor.u32 v12, v7;
	v12 =	vand.u32 $0xFFFFFF00, v13;
	v17 =	vld [tilespmem:s20+$0x10];
	v8 =	vor.u32 v1, v8  }
0x16a: {  	v13 =	vshll.u32 v10, $0x1;
	v7 =	vor.u32 v1, v7;
	v12 =	vor.u32 v12, v15;
	v19 =	vld [tilespmem:s15+$0x30]  }
0x16b: {  	v15 =	vshll.u32 v6, $0x1;
	v12 =	vor.u32 v1, v12;
	v20 =	vshll.u32 v5, $0x1;
	v21 =	vld [tilespmem:s15+$0xFFFFE030]  }
0x16c: {  	v23 =	vshll.u32 v9, $0x1;
	v24 =	vshll.u32 v11, $0x1;
	v22 =	vshll.u32 v18, $0x1;
	v25 =	vld [tilespmem:s15+$0xFFFFF030]  }
0x16d: {  	v13 =	vand.u32 $0xFFFFFF00, v13;
	v15 =	vand.u32 $0xFFFFFF00, v15;
	v22 =	vand.u32 $0xFFFFFF00, v22;
	v14 =	vld.idx.msk [tilespmem:v14+s5+$0x0], $0xffff  }
0x16e: {  	v20 =	vand.u32 $0xFFFFFF00, v20;
	v23 =	vand.u32 $0xFFFFFF00, v23;
	v24 =	vand.u32 $0xFFFFFF00, v24;
	v8 =	vld.idx.msk [tilespmem:v8+s5+$0x0], $0xffff  }
0x16f: {  	v10 =	vand.u32 $0x7F, v10;
	v18 =	vand.u32 $0x7F, v18;
	v26 =	vshll.u32 v16, $0x1;
	v7 =	vld.idx.msk [tilespmem:v7+s5+$0x0], $0xffff  }
0x170: {  	v6 =	vand.u32 $0x7F, v6;
	v5 =	vand.u32 $0x7F, v5;
	v27 =	vshll.u32 v17, $0x1;
	v12 =	vld.idx.msk [tilespmem:v12+s5+$0x0], $0xffff  }
0x171: {  	v9 =	vand.u32 $0x7F, v9;
	v11 =	vand.u32 $0x7F, v11;
	v18 =	vor.u32 v22, v18;
	v22 =	vld [tilespmem:s15+$0x1030]  }
0x172: {  	v10 =	vor.u32 v13, v10;
	v6 =	vor.u32 v15, v6;
	v5 =	vor.u32 v20, v5;
	v13 =	vld [tilespmem:s20+$0x20]  }
0x173: {  	v9 =	vor.u32 v23, v9;
	v11 =	vor.u32 v24, v11;
	v15 =	vand.u32 $0xFFFFFF00, v26;
	v20 =	vld [tilespmem:s20+$0x1000]  }
0x174: {  	v23 =	vand.u32 $0xFFFFFF00, v27;
	v14 =	vmul.f32 v21, v14;
	v8 =	vmul.f32 v25, v8;
	v24 =	vld [tilespmem:s20+$0x1010]  }
0x175: {  	v16 =	vand.u32 $0x7F, v16;
	v17 =	vand.u32 $0x7F, v17;
	v7 =	vmul.f32 v19, v7;
	v21 =	vld [tilespmem:s20+$0x1020]  }
0x176: {  	v18 =	vor.u32 v1, v18;
	v8 =	vmax.f32 v14, v8;
	v19 =	vld [tilespmem:s15+$0xFFFFE000];
	v12 =	vmul.f32 v22, v12  }
0x177: {  	v7 =	vmax.f32 v8, v7;
	v14 =	vld [tilespmem:s15+$0xFFFFF000];
	v22 =	vand.u32 $0x7F, v13;
	v13 =	vshll.u32 v13, $0x1  }
0x178: {  	v8 =	vshll.u32 v20, $0x1;
	v25 =	vld [tilespmem:s15+$0xFFFFE010];
	v13 =	vand.u32 $0xFFFFFF00, v13;
	v7 =	vmax.f32 v7, v12  }
0x179: {  	v10 =	vor.u32 v1, v10;
	v12 =	vld [tilespmem:s15+$0xFFFFF010];
	v26 =	vshll.u32 v24, $0x1;
	v7 =	vmul.f32 v7, v2  }
0x17a: {  	s16 =	sadd.s32 $0x40, s16;
	v6 =	vor.u32 v1, v6;
	v5 =	vor.u32 v1, v5;
	v27 =	vld [tilespmem:s15+$0xFFFFE020];
	v28 =	vshll.u32 v21, $0x1  }
0x17b: {  	v9 =	vor.u32 v1, v9;
	v11 =	vor.u32 v1, v11;
	v15 =	vor.u32 v15, v16;
	v16 =	vld [tilespmem:s15+$0xFFFFF020];
	[tilespmem:s16+$0x10] =	vst v7  }
0x17c: {  	v17 =	vor.u32 v23, v17;
	v8 =	vand.u32 $0xFFFFFF00, v8;
	v13 =	vor.u32 v13, v22;
	v7 =	vld.idx.msk [tilespmem:v18+s5+$0x0], $0xffff  }
0x17d: {  	v20 =	vand.u32 $0x7F, v20;
	v22 =	vand.u32 $0xFFFFFF00, v26;
	v23 =	vand.u32 $0xFFFFFF00, v28;
	v18 =	vld [tilespmem:s15+$0x0]  }
0x17e: {  	v15 =	vor.u32 v1, v15;
	v24 =	vand.u32 $0x7F, v24;
	v21 =	vand.u32 $0x7F, v21;
	v10 =	vld.idx.msk [tilespmem:v10+s5+$0x0], $0xffff  }
0x17f: {  	v17 =	vor.u32 v1, v17;
	v8 =	vor.u32 v8, v20;
	v13 =	vor.u32 v1, v13;
	v6 =	vld.idx.msk [tilespmem:v6+s5+$0x0], $0xffff  }
0x180: {  	v8 =	vor.u32 v1, v8;
	v20 =	vor.u32 v22, v24;
	v21 =	vor.u32 v23, v21;
	v5 =	vld.idx.msk [tilespmem:v5+s5+$0x0], $0xffff  }
0x181: {  	v3 =	vmul.f32 v3, v2;
	v20 =	vor.u32 v1, v20;
	v21 =	vor.u32 v1, v21;
	v9 =	vld.idx.msk [tilespmem:v9+s5+$0x0], $0xffff  }
0x182: {  	v4 =	vmul.f32 v4, v2;
	v7 =	vmul.f32 v19, v7;
	v11 =	vld.idx.msk [tilespmem:v11+s5+$0x0], $0xffff  }
0x183: {  	v15 =	vld.idx.msk [tilespmem:v15+s5+$0x0], $0xffff;
	[tilespmem:s17+$0xFFFFFFF0] =	vst v3  }
0x184: {  	v3 =	vmul.f32 v14, v10;
	v10 =	vld.idx.msk [tilespmem:v17+s5+$0x0], $0xffff;
	[tilespmem:s17+$0x0] =	vst v4;
	s17 =	smov.u32 s16  }
0x185: {  	v4 =	vmul.f32 v25, v6;
	v13 =	vld.idx.msk [tilespmem:v13+s5+$0x0], $0xffff  }
0x186: {  	v6 =	vmax.f32 v7, v3;
	v5 =	vmul.f32 v12, v5;
	v7 =	vld [tilespmem:s15+$0x10]  }
0x187: {  	v9 =	vmul.f32 v27, v9;
	v12 =	vld [tilespmem:s15+$0x20]  }
0x188: {  	v14 =	vmax.f32 v4, v5;
	v4 =	vmul.f32 v16, v11;
	v3 =	vld.idx.msk [tilespmem:v8+s5+$0x0], $0xffff  }
.Ltmp2:
0x189: {  	v8 =	vmul.f32 v18, v15;
	v5 =	vld.idx.msk [tilespmem:v20+s5+$0x0], $0xffff;
	(pc) =	sbr.rel @p0 .LBB2_7-.Ltmp2, $4  }
0x18a: {  	v9 =	vmax.f32 v9, v4;
	v4 =	vld.idx.msk [tilespmem:v21+s5+$0x0], $0xffff  }
0x18b: {  	v6 =	vmax.f32 v6, v8;
	v8 =	vld [tilespmem:s15+$0x1000];
	v7 =	vmul.f32 v7, v10  }
0x18c: {  	v10 =	vld [tilespmem:s15+$0x1010];
	v12 =	vmul.f32 v12, v13  }
0x18d: {  	s20 =	sadd.s32 $0x40, s20;
	v7 =	vmax.f32 v14, v7;
	v11 =	vld [tilespmem:s15+$0x1020]  }
0x18e: {  	_ =	sdelay $0x1  }
0x18f: {  	v3 =	vmul.f32 v8, v3  }
0x190: {  	v5 =	vmul.f32 v10, v5  }
0x191: {  	v3 =	vmax.f32 v6, v3;
	v4 =	vmul.f32 v11, v4  }
0x192: {  	v6 =	vmax.f32 v9, v12;
	v3 =	vmul.f32 v3, v2;
	v5 =	vmax.f32 v7, v5  }
0x193: {  	s4 =	sshll.u32 s10, $0x13;
	v4 =	vmax.f32 v6, v4;
	v5 =	vmul.f32 v5, v2  }
0x194: {  	s4 =	sor.u32 s13, s4;
	[tilespmem:s16+$0xFFFFFFE0] =	vst v3;
	v2 =	vmul.f32 v4, v2  }
0x195: {  	s29 =	rddreg [dreg:$0x3];
	s10 =	sshrl.u32 s4, $0x3;
	[tilespmem:s17+$0xFFFFFFF0] =	vst v5  }
0x196: {  	s31 =	simm.s32 $0x10380;
	p0 =	seq.s32 s24, $0x5;
	s4 =	sadd.s32 s29, s10;
	[tilespmem:s17+$0x0] =	vst v2  }
0x197: {  	[hbm4b:s4+s5] =	stream.linear.scatter [tilespmem:s31], [sflag:$0x5], $0x1000, $0x38;
	[tilespmem:$0x12380] =	vst v63  }
0x198: {  	s4 =	sadd.s32 @!p0 $0x1, s12  }
0x199: {  	s12 =	sshrl.u32 @!p0 s4, $0x6  }
0x19a: {  	p1 =	seq.s32 @!p0 s12, $0x2;
	s12 =	sshll.u32 @!p0 s12, $0x15  }
0x19b: {  	s4 =	sshll.u32 @!p0 s4, $0xD;
	s12 =	sadd.s32 @!p0 $0x200000, s12;
	p1 =	por !p1, p0  }
0x19c: {  	s4 =	sand.u32 @!p0 $0x7E000, s4;
	s12 =	simm.s32 @!p1 $0x2  }
0x19d: {  	s4 =	sor.u32 @!p0 s4, s12  }
0x19e: {  	s13 =	simm.s32 @!p0 $0x1000;
	s4 =	sshrl.u32 @!p0 s4, $0x3  }
0x19f: {  	s14 =	simm.s32 @!p0 $0x80000;
	s15 =	simm.s32 @!p0 $0x380;
	s12 =	sadd.s32 @!p0 s1, s4  }
0x1a0: {  	[tilespmem:s15], [sflag:$0x1] =	stream.strided.gather @!p0 [hbm4b:s12+s13], $0x4000, s14, s13, $0x38;
	[tilespmem:$0x12380] =	vst v63  }
0x1a1: {  	s4 =	sadd.s32 @!p0 s2, s4;
	s12 =	simm.s32 @!p0 $0x8380  }
0x1a2: {  	[tilespmem:s12], [sflag:$0x3] =	stream.strided.gather @!p0 [hbm4b:s4+s13], $0x4000, s14, s13, $0x38;
	[tilespmem:$0x12380] =	vst v63  }
0x1a3: {  	_ =	swait.ge [sflag:s3], $0x4000  }
0x1a4: {  	[sflag:s3] =	ssyncset.done $0x0  }
0x1a5: {  	[sflag:s3] =	ssyncadd.s32 $0xFFFFC000  }
0x1a6: {  	_ =	swait.ge [sflag:s0], $0x4000  }
0x1a7: {  	[sflag:s0] =	ssyncset.done $0x0  }
0x1a8: {  	[sflag:s0] =	ssyncadd.s32 $0xFFFFC000  }
0x1a9: {  	_ =	swait.ge [sflag:s8], $0x1000  }
0x1aa: {  	[sflag:s8] =	ssyncset.done $0x0  }
0x1ab: {  	s12 =	simm.s32 $0x0;
	[sflag:s8] =	ssyncadd.s32 $0xFFFFF000  }
0x1ac: {  	s19 =	simm.s32 $0x0;
	s13 =	sand.u32 $0x40, s12;
	v2 =	vld [tilespmem:s11+$0x300]  }
0x1ad: {  	s23 =	sand.u32 $0xF80, s12;
	s25 =	sor.u32 $0x10, s13;
	v9 =	vld [tilespmem:s19+$0xF380]  }
0x1ae: {  	s26 =	sor.u32 s23, s25;
	v4 =	vld [tilespmem:s19+$0x7380]  }
0x1af: {  	s28 =	sor.u32 $0x20, s13;
	v3 =	vld [tilespmem:s26+$0xC380]  }
0x1b0: {  	s29 =	sor.u32 s23, s28;
	v6 =	vld [tilespmem:s26+$0x7380]  }
0x1b1: {  	s31 =	sor.u32 $0x30, s13;
	v7 =	vld [tilespmem:s29+$0x7380]  }
0x1b2: {  	s20 =	sor.u32 s23, s31;
	v5 =	vld [tilespmem:s19+$0x5380]  }
0x1b3: {  	v8 =	vld [tilespmem:s20+$0x7380]  }
0x1b4: {  	v10 =	vld [tilespmem:s26+$0x6380]  }
0x1b5: {  	v11 =	vld [tilespmem:s19+$0x6380]  }
0x1b6: {  	v12 =	vld [tilespmem:s29+$0x6380]  }
0x1b7: {  	v13 =	vld [tilespmem:s29+$0x5380]  }
0x1b8: {  	v14 =	vld [tilespmem:s20+$0x5380]  }
0x1b9: {  	v16 =	vld [tilespmem:s19+$0x4380]  }
0x1ba: {  	v19 =	vld [tilespmem:s29+$0x4380]  }
0x1bb: {  	v31 =	vld [tilespmem:s20+$0x6380];
	v18 =	vshll.u32 v4, $0x1;
	v4 =	vand.u32 $0x7F, v4  }
0x1bc: {  	v15 =	vld [tilespmem:s20+$0x4380];
	v21 =	vand.u32 $0x7F, v5;
	v5 =	vshll.u32 v5, $0x1;
	v23 =	vshll.u32 v8, $0x1  }
0x1bd: {  	v17 =	vld [tilespmem:s20+$0xD380];
	v8 =	vand.u32 $0x7F, v8;
	v24 =	vshll.u32 v11, $0x1;
	v25 =	vand.u32 $0x7F, v10  }
0x1be: {  	v20 =	vld [tilespmem:s26+$0xF380];
	v28 =	vshll.u32 v10, $0x1;
	v30 =	vand.u32 $0x7F, v13;
	v13 =	vshll.u32 v13, $0x1  }
0x1bf: {  	v26 =	vld [tilespmem:s19+$0xD380];
	v34 =	vshll.u32 v16, $0x1;
	v37 =	vand.u32 $0x7F, v19;
	v16 =	vand.u32 $0x7F, v16  }
0x1c0: {  	v27 =	vld [tilespmem:s26+$0x4380];
	v19 =	vshll.u32 v19, $0x1;
	v60 =	vand.u32 $0x7F, v31;
	v18 =	vand.u32 $0xFFFFFF00, v18  }
0x1c1: {  	v29 =	vld [tilespmem:s29+$0xF380];
	v22 =	vand.u32 $0xFFFFFF00, v5;
	v23 =	vand.u32 $0xFFFFFF00, v23;
	v19 =	vand.u32 $0xFFFFFF00, v19  }
0x1c2: {  	v32 =	vld [tilespmem:s20+$0xF380];
	v18 =	vor.u32 v18, v4;
	v21 =	vor.u32 v22, v21;
	v8 =	vor.u32 v23, v8  }
0x1c3: {  	v33 =	vld [tilespmem:s29+$0xD380];
	v23 =	vshll.u32 v6, $0x1;
	v6 =	vand.u32 $0x7F, v6;
	v19 =	vor.u32 v19, v37  }
0x1c4: {  	v36 =	vld [tilespmem:s29+$0xE380];
	v18 =	vor.u32 v1, v18;
	v21 =	vor.u32 v1, v21;
	v8 =	vor.u32 v1, v8  }
0x1c5: {  	v22 =	vld [tilespmem:s26+$0x5380];
	v10 =	vand.u32 $0xFFFFFF00, v23;
	v23 =	vshll.u32 v12, $0x1;
	v12 =	vand.u32 $0x7F, v12  }
0x1c6: {  	v61 =	vld [tilespmem:s26+$0xD380];
	v6 =	vor.u32 v10, v6;
	v10 =	vand.u32 $0xFFFFFF00, v23;
	v23 =	vshll.u32 v14, $0x1  }
0x1c7: {  	v5 =	vld [tilespmem:s19+$0xC380];
	v19 =	vor.u32 v1, v19;
	v14 =	vand.u32 $0x7F, v14;
	v23 =	vand.u32 $0xFFFFFF00, v23  }
0x1c8: {  	v4 =	vld [tilespmem:s20+$0xE380];
	v6 =	vor.u32 v1, v6;
	v10 =	vor.u32 v10, v12;
	v14 =	vor.u32 v23, v14  }
0x1c9: {  	v23 =	vor.u32 v1, v10;
	v58 =	vor.u32 v1, v14;
	v12 =	vld.idx.msk [tilespmem:v8+s5+$0x0], $0xffff;
	v8 =	vand.u32 $0xFFFFFF00, v13  }
0x1ca: {  	v10 =	vld [tilespmem:s26+$0xE380];
	v14 =	vand.u32 $0x7F, v22;
	v13 =	vshll.u32 v7, $0x1;
	v8 =	vor.u32 v8, v30  }
0x1cb: {  	v18 =	vld.idx.msk [tilespmem:v18+s5+$0x0], $0xffff;
	v7 =	vand.u32 $0x7F, v7;
	v30 =	vor.u32 v1, v8;
	v8 =	vshll.u32 v27, $0x1  }
0x1cc: {  	v59 =	vld.idx.msk [tilespmem:v21+s5+$0x0], $0xffff;
	v13 =	vand.u32 $0xFFFFFF00, v13;
	v27 =	vand.u32 $0x7F, v27;
	v8 =	vand.u32 $0xFFFFFF00, v8  }
0x1cd: {  	v13 =	vor.u32 v13, v7;
	v35 =	vld.idx.msk [tilespmem:v6+s5+$0x0], $0xffff;
	v27 =	vor.u32 v8, v27;
	v8 =	vshll.u32 v22, $0x1  }
0x1ce: {  	v6 =	vand.u32 $0xFFFFFF00, v28;
	v13 =	vor.u32 v1, v13;
	v22 =	vld.idx.msk [tilespmem:v23+s5+$0x0], $0xffff;
	v23 =	vand.u32 $0xFFFFFF00, v8  }
0x1cf: {  	v19 =	vld.idx.msk [tilespmem:v19+s5+$0x0], $0xffff;
	v6 =	vor.u32 v6, v25;
	v25 =	vand.u32 $0xFFFFFF00, v34;
	v23 =	vor.u32 v23, v14  }
0x1d0: {  	v11 =	vand.u32 $0x7F, v11;
	v7 =	vld [tilespmem:s19+$0xE380];
	v16 =	vor.u32 v25, v16;
	v23 =	vor.u32 v1, v23  }
0x1d1: {  	v24 =	vand.u32 $0xFFFFFF00, v24;
	v21 =	vshll.u32 v31, $0x1;
	v28 =	vld.idx.msk [tilespmem:v58+s5+$0x0], $0xffff;
	v16 =	vor.u32 v1, v16  }
0x1d2: {  	v11 =	vor.u32 v24, v11;
	v21 =	vand.u32 $0xFFFFFF00, v21;
	v6 =	vor.u32 v1, v6;
	v25 =	vld.idx.msk [tilespmem:v30+s5+$0x0], $0xffff  }
0x1d3: {  	v62 =	vor.u32 v1, v11;
	v24 =	vld.idx.msk [tilespmem:v13+s5+$0x0], $0xffff;
	v13 =	vor.u32 v21, v60  }
0x1d4: {  	v8 =	vld [tilespmem:s20+$0xC380];
	v27 =	vor.u32 v1, v27;
	v38 =	vor.u32 v1, v13;
	v13 =	vshll.u32 v15, $0x1  }
0x1d5: {  	v11 =	vmul.f32 v9, v18;
	v18 =	vand.u32 $0xFFFFFF00, v13;
	v63 =	vld.idx.msk [tilespmem:v23+s5+$0x0], $0xffff;
	v23 =	vand.u32 $0x7F, v15  }
0x1d6: {  	v21 =	vld.idx.msk [tilespmem:v16+s5+$0x0], $0xffff;
	v16 =	vor.u32 v18, v23  }
0x1d7: {  	v6 =	vld.idx.msk [tilespmem:v6+s5+$0x0], $0xffff;
	v23 =	vmul.f32 v33, v25;
	v25 =	vor.u32 v1, v16  }
0x1d8: {  	v9 =	vmul.f32 v32, v12;
	v14 =	vld [tilespmem:s29+$0xC380]  }
0x1d9: {  	s16 =	simm.s32 $0x0;
	s4 =	sadd.s32 $0x11380, s23;
	v12 =	vmul.f32 v20, v35;
	v20 =	vld.idx.msk [tilespmem:v27+s5+$0x0], $0xffff;
	v13 =	vmul.f32 v17, v28  }
0x1da: {  	s17 =	simm.s32 $0x100;
	s15 =	sor.u32 s28, s4;
	s12 =	sor.u32 s13, s4;
	v17 =	vmul.f32 v26, v59;
	v15 =	vmul.f32 v36, v22;
	v22 =	vld.idx.msk [tilespmem:v62+s5+$0x0], $0xffff  }
0x1db: {  	s13 =	sor.u32 s31, s4;
	s11 =	sor.u32 s25, s4;
	s19 =	simm.s32 $0x40;
	v18 =	vmul.f32 v29, v24;
	v16 =	vld.idx.msk [tilespmem:v38+s5+$0x0], $0xffff;
	v24 =	vmul.f32 v61, v63  }
.LBB2_9:
0x1dc: {  	s4 =	sand.u32 $0x40, s19;
	s14 =	sshra.s32 s17, $0x2;
	s16 =	sadd.s32 $0x4, s16;
	v10 =	vmul.f32 v10, v6;
	v25 =	vld.idx.msk [tilespmem:v25+s5+$0x0], $0xffff  }
0x1dd: {  	s23 =	sand.u32 $0xF80, s19;
	v14 =	vmul.f32 v14, v19;
	v6 =	vld [tilespmem:s14+$0xF380];
	s25 =	sor.u32 $0x10, s4;
	s26 =	sor.u32 $0x20, s4  }
0x1de: {  	s31 =	sor.u32 $0x30, s4;
	p0 =	slt.u32 s16, $0xFC;
	v20 =	vmul.f32 v3, v20;
	v19 =	vld [tilespmem:s14+$0x7380];
	s20 =	sor.u32 s23, s25  }
0x1df: {  	s29 =	sadd.s32 $0x11380, s23;
	v5 =	vmul.f32 v5, v21;
	v14 =	vmax.f32 v14, v23;
	v3 =	vld [tilespmem:s20+$0xC380]  }
0x1e0: {  	s25 =	sor.u32 s25, s29;
	s28 =	sor.u32 s23, s26;
	s26 =	sor.u32 s26, s29;
	v7 =	vmul.f32 v7, v22;
	v20 =	vmax.f32 v20, v24;
	v14 =	vmax.f32 v14, v15;
	v21 =	vld [tilespmem:s20+$0x7380]  }
0x1e1: {  	s4 =	sor.u32 s4, s29;
	s29 =	sor.u32 s31, s29;
	v5 =	vmax.f32 v5, v17;
	v10 =	vmax.f32 v20, v10;
	v14 =	vmax.f32 v14, v18;
	v15 =	vld [tilespmem:s28+$0x7380]  }
0x1e2: {  	s23 =	sor.u32 s23, s31;
	v10 =	vmax.f32 v10, v12;
	v12 =	vmul.f32 v14, v2;
	v8 =	vmul.f32 v8, v25;
	v17 =	vld [tilespmem:s14+$0x5380]  }
0x1e3: {  	v5 =	vmax.f32 v5, v7;
	v7 =	vmul.f32 v10, v2;
	v14 =	vshll.u32 v19, $0x1;
	v18 =	vld [tilespmem:s23+$0x7380]  }
0x1e4: {  	v4 =	vmul.f32 v4, v16;
	v10 =	vand.u32 $0x7F, v19;
	v14 =	vand.u32 $0xFFFFFF00, v14;
	v19 =	vld [tilespmem:s20+$0x6380];
	[tilespmem:s15+$0x0] =	vst v12;
	s15 =	smov.u32 s26  }
0x1e5: {  	v5 =	vmax.f32 v5, v11;
	v12 =	vld [tilespmem:s14+$0x6380];
	v10 =	vor.u32 v14, v10;
	[tilespmem:s11+$0x0] =	vst v7;
	v7 =	vmax.f32 v8, v13;
	s11 =	smov.u32 s25  }
0x1e6: {  	v5 =	vmul.f32 v5, v2;
	v8 =	vld [tilespmem:s28+$0x6380];
	v4 =	vmax.f32 v7, v4  }
0x1e7: {  	v7 =	vand.u32 $0x7F, v17;
	v11 =	vshll.u32 v17, $0x1;
	v13 =	vld [tilespmem:s28+$0x5380];
	v4 =	vmax.f32 v4, v9  }
0x1e8: {  	v10 =	vor.u32 v1, v10;
	v9 =	vand.u32 $0xFFFFFF00, v11;
	v11 =	vld [tilespmem:s23+$0x5380];
	[tilespmem:s12+$0x0] =	vst v5;
	v4 =	vmul.f32 v4, v2;
	s12 =	smov.u32 s4  }
0x1e9: {  	v5 =	vor.u32 v9, v7;
	v7 =	vld [tilespmem:s23+$0x4380]  }
0x1ea: {  	v16 =	vand.u32 $0x7F, v19;
	v9 =	vld [tilespmem:s14+$0x4380];
	v14 =	vshll.u32 v12, $0x1;
	[tilespmem:s13+$0x0] =	vst v4;
	s13 =	smov.u32 s29  }
0x1eb: {  	v19 =	vshll.u32 v19, $0x1;
	v17 =	vor.u32 v1, v5;
	v4 =	vshll.u32 v8, $0x1;
	v20 =	vld [tilespmem:s23+$0xD380]  }
0x1ec: {  	v22 =	vld [tilespmem:s28+$0x4380];
	v23 =	vand.u32 $0x7F, v13;
	v13 =	vshll.u32 v13, $0x1;
	v24 =	vand.u32 $0xFFFFFF00, v4  }
0x1ed: {  	v4 =	vshll.u32 v21, $0x1;
	v25 =	vld [tilespmem:s20+$0xF380];
	v26 =	vand.u32 $0x7F, v11;
	v11 =	vshll.u32 v11, $0x1  }
0x1ee: {  	v8 =	vand.u32 $0x7F, v8;
	v27 =	vand.u32 $0xFFFFFF00, v4;
	v28 =	vand.u32 $0x7F, v7;
	v4 =	vld [tilespmem:s23+$0xE380]  }
0x1ef: {  	v29 =	vshll.u32 v18, $0x1;
	v21 =	vand.u32 $0x7F, v21;
	v11 =	vand.u32 $0xFFFFFF00, v11;
	v5 =	vld [tilespmem:s14+$0xC380]  }
0x1f0: {  	v18 =	vand.u32 $0x7F, v18;
	v11 =	vor.u32 v11, v26;
	v26 =	vand.u32 $0xFFFFFF00, v29;
	v30 =	vld [tilespmem:s20+$0x5380]  }
0x1f1: {  	v31 =	vshll.u32 v15, $0x1;
	v13 =	vand.u32 $0xFFFFFF00, v13;
	v18 =	vor.u32 v26, v18;
	v29 =	vld [tilespmem:s14+$0xD380]  }
0x1f2: {  	v13 =	vor.u32 v13, v23;
	v23 =	vand.u32 $0xFFFFFF00, v31;
	v18 =	vor.u32 v1, v18;
	v26 =	vld [tilespmem:s20+$0x4380]  }
0x1f3: {  	v15 =	vand.u32 $0x7F, v15;
	v21 =	vor.u32 v27, v21;
	v13 =	vor.u32 v1, v13;
	v27 =	vld [tilespmem:s28+$0xF380]  }
0x1f4: {  	v8 =	vor.u32 v24, v8;
	v7 =	vshll.u32 v7, $0x1;
	v15 =	vor.u32 v23, v15;
	v31 =	vld.idx.msk [tilespmem:v10+s5+$0x0], $0xffff  }
0x1f5: {  	v19 =	vand.u32 $0xFFFFFF00, v19;
	v21 =	vor.u32 v1, v21;
	v10 =	vshll.u32 v9, $0x1;
	v23 =	vld [tilespmem:s23+$0x6380]  }
0x1f6: {  	v33 =	vor.u32 v1, v11;
	v32 =	vand.u32 $0x7F, v22;
	v24 =	vand.u32 $0x7F, v30;
	v34 =	vld [tilespmem:s23+$0xF380]  }
0x1f7: {  	v8 =	vor.u32 v1, v8;
	v9 =	vand.u32 $0x7F, v9;
	v11 =	vshll.u32 v26, $0x1;
	v18 =	vld.idx.msk [tilespmem:v18+s5+$0x0], $0xffff  }
0x1f8: {  	v36 =	vand.u32 $0xFFFFFF00, v7;
	v26 =	vand.u32 $0x7F, v26;
	v11 =	vand.u32 $0xFFFFFF00, v11;
	v35 =	vld [tilespmem:s28+$0xD380]  }
0x1f9: {  	v22 =	vshll.u32 v22, $0x1;
	v7 =	vand.u32 $0xFFFFFF00, v10;
	v11 =	vor.u32 v11, v26;
	v10 =	vld [tilespmem:s20+$0xE380]  }
0x1fa: {  	v26 =	vor.u32 v1, v11;
	v21 =	vld.idx.msk [tilespmem:v21+s5+$0x0], $0xffff;
	v11 =	vand.u32 $0xFFFFFF00, v22;
	v22 =	vshll.u32 v23, $0x1  }
0x1fb: {  	v15 =	vor.u32 v1, v15;
	v37 =	vor.u32 v7, v9;
	v9 =	vand.u32 $0x7F, v23;
	v7 =	vld [tilespmem:s14+$0xE380]  }
0x1fc: {  	v23 =	vshll.u32 v30, $0x1;
	v30 =	vor.u32 v11, v32;
	v22 =	vand.u32 $0xFFFFFF00, v22;
	v32 =	vld [tilespmem:s28+$0xE380]  }
0x1fd: {  	v16 =	vor.u32 v19, v16;
	v28 =	vor.u32 v36, v28;
	v23 =	vand.u32 $0xFFFFFF00, v23;
	v19 =	vld.idx.msk [tilespmem:v8+s5+$0x0], $0xffff  }
0x1fe: {  	v11 =	vmul.f32 v6, v31;
	v6 =	vor.u32 v23, v24;
	v22 =	vor.u32 v22, v9;
	v8 =	vld [tilespmem:s23+$0xC380]  }
0x1ff: {  	v12 =	vand.u32 $0x7F, v12;
	v23 =	vand.u32 $0xFFFFFF00, v14;
	v9 =	vmul.f32 v34, v18;
	v14 =	vld [tilespmem:s28+$0xC380]  }
0x200: {  	v18 =	vor.u32 v23, v12;
	v6 =	vor.u32 v1, v6;
	v23 =	vld.idx.msk [tilespmem:v33+s5+$0x0], $0xffff  }
0x201: {  	v16 =	vor.u32 v1, v16;
	v17 =	vld.idx.msk [tilespmem:v17+s5+$0x0], $0xffff  }
0x202: {  	v12 =	vmul.f32 v25, v21;
	v21 =	vor.u32 v1, v30;
	v24 =	vld.idx.msk [tilespmem:v13+s5+$0x0], $0xffff  }
0x203: {  	v30 =	vld [tilespmem:s20+$0xD380]  }
0x204: {  	v31 =	vor.u32 v1, v37;
	v33 =	vld.idx.msk [tilespmem:v15+s5+$0x0], $0xffff  }
0x205: {  	v18 =	vor.u32 v1, v18;
	v34 =	vld.idx.msk [tilespmem:v6+s5+$0x0], $0xffff  }
0x206: {  	v15 =	vmul.f32 v32, v19;
	v13 =	vmul.f32 v20, v23;
	v6 =	vld.idx.msk [tilespmem:v16+s5+$0x0], $0xffff;
	v16 =	vor.u32 v1, v22  }
.Ltmp3:
0x207: {  	v25 =	vor.u32 v1, v28;
	v17 =	vmul.f32 v29, v17;
	v19 =	vld.idx.msk [tilespmem:v21+s5+$0x0], $0xffff;
	(pc) =	sbr.rel @p0 .LBB2_9-.Ltmp3, $4  }
0x208: {  	v23 =	vmul.f32 v35, v24;
	v20 =	vld.idx.msk [tilespmem:v26+s5+$0x0], $0xffff  }
0x209: {  	v21 =	vld.idx.msk [tilespmem:v31+s5+$0x0], $0xffff  }
0x20a: {  	v22 =	vld.idx.msk [tilespmem:v18+s5+$0x0], $0xffff;
	v18 =	vmul.f32 v27, v33  }
0x20b: {  	s17 =	sadd.s32 $0x100, s17;
	s19 =	sadd.s32 $0x40, s19;
	v24 =	vmul.f32 v30, v34;
	v16 =	vld.idx.msk [tilespmem:v16+s5+$0x0], $0xffff  }
0x20c: {  	_ =	sdelay $0x3  }
0x20d: {  	v1 =	vld.idx.msk [tilespmem:v25+s5+$0x0], $0xffff  }
0x20e: {  	v14 =	vmul.f32 v14, v19  }
0x20f: {  	v3 =	vmul.f32 v3, v20  }
0x210: {  	v6 =	vmul.f32 v10, v6;
	v5 =	vmul.f32 v5, v21;
	v61 =	vmax.f32 v14, v23  }
0x211: {  	v7 =	vmul.f32 v7, v22;
	v3 =	vmax.f32 v3, v24;
	v10 =	vmax.f32 v61, v15  }
0x212: {  	v5 =	vmax.f32 v5, v17;
	v3 =	vmax.f32 v3, v6;
	v1 =	vmul.f32 v8, v1  }
0x213: {  	v62 =	vmax.f32 v10, v18;
	v4 =	vmul.f32 v4, v16;
	v3 =	vmax.f32 v3, v12  }
0x214: {  	s24 =	sadd.s32 $0x1, s24;
	v6 =	vmul.f32 v62, v2;
	v5 =	vmax.f32 v5, v7;
	v1 =	vmax.f32 v1, v13  }
0x215: {  	p0 =	sne.s32 s24, $0x6;
	v3 =	vmul.f32 v3, v2;
	v5 =	vmax.f32 v5, v11;
	v1 =	vmax.f32 v1, v4  }
.Ltmp4:
0x216: {  	[tilespmem:s15+$0x0] =	vst v6;
	v63 =	vmul.f32 v5, v2;
	v1 =	vmax.f32 v1, v9;
	(pc) =	sbr.rel @p0 .LBB2_6-.Ltmp4, $4  }
0x217: {  	[tilespmem:s11+$0x0] =	vst v3;
	v1 =	vmul.f32 v1, v2  }
0x218: {  	[tilespmem:s12+$0x0] =	vst v63  }
0x219: {  	s4 =	sadd.s32 s10, s18;
	s31 =	simm.s32 $0x11380;
	[tilespmem:s13+$0x0] =	vst v1  }
0x21a: {  	[hbm4b:s4+s5] =	stream.linear.scatter [tilespmem:s31], [sflag:$0x6], $0x1000, $0x38;
	[tilespmem:$0x12380] =	vst v63  }
0x21b: {  	_ =	swait.ge [sflag:s7], $0x1000  }
0x21c: {  	[sflag:s7] =	ssyncset.done $0x0  }
0x21d: {  	[sflag:s7] =	ssyncadd.s32 $0xFFFFF000  }
0x21e: {  	_ =	swait.ge [sflag:s8], $0x1000  }
0x21f: {  	s10 =	rddreg [dreg:$0x11]  }
0x220: {  	s4 =	rddreg [dreg:$0x10];
	s10 =	sadd.s32 $0x1, s10  }
0x221: {  	p0 =	sne.s32 s10, s4  }
.Ltmp5:
0x222: {  	_ = 	snop;
	(pc) =	sbr.rel @p0 .LBB2_1-.Ltmp5, $3  }
0x223: {  	_ =	sdelay $0x1  }
0x224: {  	s16 =	simm.s32 $0x380;
	[sflag:s8] =	ssyncset.done $0x0  }
0x225: {  	s17 =	simm.s32 $0x8380;
	s14 =	rddreg [dreg:$0xb];
	[sflag:s8] =	ssyncadd.s32 $0xFFFFF000  }
0x226: {  	_ =	sfence.sel $0x180000  }
0x227: {  	[bflag:$0x0] =	sbarrier.arrive $0xFFFF  }
0x228: {  	_ =	strace $0x90000047  }
0x229: {  	s0 =	stileid.u32;
	[bflag:$0x2] =	sbarrier.arrive $0xFFFF  }
0x22a: {  	p0 =	sne.s32 s0, $0x0;
	s0 =	rddreg [dreg:$0x4]  }
0x22b: {  	s0 =	sadd.s32 @!p0 $0x100000, s0  }
0x22c: {  	[sflag:s0] =	ssyncadd.tile.s32 @!p0 $0x1;
	_ =	shalt  }
.Lfunc_end2:
_tile_overlayer_lowered:
.L_overlay_start_2:
0x22d: {  	(tag) =	ssettag $0x2  }
0x22e: {  	s0 =	rddreg [dreg:$0x0];
	s2 =	stileid.u32  }
0x22f: {  	s1 =	rddreg [dreg:$0x1];
	p0 =	sne.s32 s2, $0x0  }
0x230: {  	s3 =	rddreg [dreg:$0x2];
	[bflag:$0x3] =	sbarrier.arrive $0xFFFF;
	s2 =	simm.s32 @!p0 $0x1C07  }
0x231: {  	[timem:s3], [sflag:s2] =	dma.local @!p0 [hbm:s0], s1  }
0x232: {  	s0 =	simm.s32 @!p0 $0x7  }
0x233: {  	_ =	swait.ge @!p0 [sflag:s0], s1  }
0x234: {  	s1 =	ssub.s32 @!p0 $0x0, s1;
	[sflag:s0] =	ssyncset.done @!p0 $0x0  }
0x235: {  	[sflag:s0] =	ssyncadd.s32 @!p0 s1  }
0x236: {  	[bflag:$0x3] =	sbarrier.arrive $0xFFFF  }
0x237: {  	_ =	shalt  }

</sc_bundles>
